<compile_context>
chip_gen: v7x
topology: tpu7x:2x2x1
jax: 0.10.2.dev20260603
libtpu: 0.0.44.dev20260713+nightly
codegen_flags: <defaults>
</compile_context>

<pallas_src>
import functools

import jax
import jax.numpy as jnp
from jax import lax
from jax.experimental import pallas as pl
from jax.experimental.pallas import tpu as pltpu
from jax.experimental.pallas import tpu_sc as plsc

_BLK = 128
_NEG = -1e30
_NUM_EXPERTS = 8


_LNB = 512


def _ln_router_body(x_ref, g_ref, b_ref, wp_ref,
                    nrm_ref, scl_ref, p_ref, m_ref, obuf, cumb, runn):
    f32 = jnp.float32
    i = pl.program_id(0)
    nblk = obuf.shape[0]
    c_i = lax.broadcasted_iota(jnp.int32, (_LNB, 128), 1)
    ones_row = jnp.ones((1, _LNB), f32)

    @pl.when(i == 0)
    def _():
        runn[...] = jnp.zeros((1, 128), f32)

    @pl.when(i < nblk)
    def _():
        x = x_ref[...]
        mu = jnp.mean(x, axis=1, keepdims=True)
        xc = x - mu
        var = jnp.mean(xc * xc, axis=1, keepdims=True)
        nrm = xc * lax.rsqrt(var + 1e-5)
        nrm = nrm * g_ref[...] + b_ref[...]
        logits = jnp.dot(nrm, wp_ref[...], preferred_element_type=f32)
        logits = jnp.where(c_i < _NUM_EXPERTS, logits, _NEG)
        m = jnp.max(logits, axis=1, keepdims=True)
        eid_col = jnp.min(jnp.where(logits == m, c_i, 128), axis=1,
                          keepdims=True)
        nrm_ref[...] = nrm
        scl_ref[...] = nrm * jax.nn.sigmoid(m)
        onehot = (c_i == eid_col).astype(f32)
        cnt = jnp.dot(ones_row, onehot, preferred_element_type=f32)
        cumb[i] = runn[...]
        obuf[i] = onehot.astype(jnp.bfloat16)
        runn[...] = runn[...] + cnt

    @pl.when(i == nblk)
    def _():
        rt = lax.broadcasted_iota(jnp.int32, (_LNB, _LNB), 0)
        ct = lax.broadcasted_iota(jnp.int32, (_LNB, _LNB), 1)
        lstrict = (ct < rt).astype(f32)
        r_e = lax.broadcasted_iota(jnp.int32, (128, 128), 0)
        c_e = lax.broadcasted_iota(jnp.int32, (128, 128), 1)
        ustrict = (r_e < c_e).astype(f32)
        counts = runn[...]
        pc = jnp.floor((counts + (_BLK - 1.0)) / _BLK) * _BLK
        poff = jnp.dot(pc, ustrict, preferred_element_type=f32)

        shift_e = (r_e + _NUM_EXPERTS == c_e).astype(f32)
        lane = lax.broadcasted_iota(jnp.int32, (1, 128), 1)
        packed = jnp.where(lane < _NUM_EXPERTS, poff,
                           jnp.dot(pc / _BLK, shift_e, preferred_element_type=f32))
        m_ref[...] = packed.astype(jnp.int32).reshape(1, 1, 128)

        def pass1(b, carry):
            onehot = obuf[b].astype(f32)
            rank_before = jnp.dot(lstrict, onehot, preferred_element_type=f32)
            val = rank_before + poff + cumb[b]
            pcol = jnp.sum(onehot * val, axis=1)
            p_ref[b] = pcol.reshape(_LNB // 128, 128).astype(jnp.int32)
            return carry

        lax.fori_loop(0, nblk, pass1, 0)


def _ln_router(hs, gamma, beta, router_w):
    t, h = hs.shape
    nb = t // _LNB
    rows = _LNB // 128
    wp = jnp.zeros((h, 128), jnp.float32).at[:, : router_w.shape[1]].set(router_w)
    return pl.pallas_call(
        _ln_router_body,
        grid=(nb + 1,),
        in_specs=[
            pl.BlockSpec((_LNB, h), lambda b: (jnp.minimum(b, nb - 1), 0)),
            pl.BlockSpec((1, h), lambda b: (0, 0)),
            pl.BlockSpec((1, h), lambda b: (0, 0)),
            pl.BlockSpec((h, 128), lambda b: (0, 0)),
        ],
        out_specs=[
            pl.BlockSpec((_LNB, h), lambda b: (jnp.minimum(b, nb - 1), 0)),
            pl.BlockSpec((_LNB, h), lambda b: (jnp.minimum(b, nb - 1), 0)),
            pl.BlockSpec((nb, rows, 128), lambda b: (0, 0, 0)),
            pl.BlockSpec((1, 1, 128), lambda b: (0, 0, 0)),
        ],
        out_shape=[
            jax.ShapeDtypeStruct((t, h), jnp.float32),
            jax.ShapeDtypeStruct((t, h), jnp.float32),
            jax.ShapeDtypeStruct((nb, rows, 128), jnp.int32),
            jax.ShapeDtypeStruct((1, 1, 128), jnp.int32),
        ],
        scratch_shapes=[
            pltpu.VMEM((nb, _LNB, 128), jnp.bfloat16),
            pltpu.VMEM((nb, 1, 128), jnp.float32),
            pltpu.VMEM((1, 128), jnp.float32),
        ],
    )(hs, gamma.reshape(1, h), beta.reshape(1, h), wp)


def _make_sc_scatter(n_src, n_out, n_cols):
    info = plsc.get_sparse_core_info()
    nc, ns = info.num_cores, info.num_subcores
    nw = nc * ns
    bpw = n_src // nw
    mesh = plsc.VectorSubcoreMesh(core_axis_name="c", subcore_axis_name="s")

    @functools.partial(
        pl.kernel,
        mesh=mesh,
        out_type=jax.ShapeDtypeStruct((n_out, n_cols), jnp.float32),
        scratch_types=[
            pltpu.VMEM((bpw,), jnp.int32),
            pltpu.VMEM((bpw, n_cols), jnp.float32),
            pltpu.SemaphoreType.DMA,
        ],
    )
    def scatter_k(table_hbm, idx_hbm, out_hbm, idx_v, rows_v, sem):
        wid = lax.axis_index("s") * nc + lax.axis_index("c")
        base = wid * bpw
        pltpu.sync_copy(idx_hbm.at[pl.ds(base, bpw)], idx_v)
        pltpu.sync_copy(table_hbm.at[pl.ds(base, bpw)], rows_v)
        pltpu.async_copy(rows_v, out_hbm.at[idx_v], sem).wait()

    return scatter_k


def _make_sc_gather(n_out, n_cols):
    info = plsc.get_sparse_core_info()
    nc, ns = info.num_cores, info.num_subcores
    nw = nc * ns
    bpw = n_out // nw
    mesh = plsc.VectorSubcoreMesh(core_axis_name="c", subcore_axis_name="s")

    @functools.partial(
        pl.kernel,
        mesh=mesh,
        out_type=jax.ShapeDtypeStruct((n_out, n_cols), jnp.float32),
        scratch_types=[
            pltpu.VMEM((bpw,), jnp.int32),
            pltpu.VMEM((bpw, n_cols), jnp.float32),
            pltpu.SemaphoreType.DMA,
        ],
    )
    def gather_k(table_hbm, idx_hbm, out_hbm, idx_v, rows_v, sem):
        wid = lax.axis_index("s") * nc + lax.axis_index("c")
        base = wid * bpw
        pltpu.sync_copy(idx_hbm.at[pl.ds(base, bpw)], idx_v)
        pltpu.async_copy(table_hbm.at[idx_v], rows_v, sem).wait()
        pltpu.sync_copy(rows_v, out_hbm.at[pl.ds(base, bpw)])

    return gather_k


_FFB = 1024


def _expert_body(m_ref, x_ref, wg_ref, wu_ref, wd_ref, o_ref):
    e = pl.program_id(0)
    f = pl.program_id(1)
    poff = m_ref[e]
    nblk = m_ref[_NUM_EXPERTS + e]

    def body(j, carry):
        r0 = pl.multiple_of(poff + j * _BLK, _BLK)
        x = x_ref[pl.ds(r0, _BLK), :]
        g = jnp.dot(x, wg_ref[0], preferred_element_type=jnp.float32)
        u = jnp.dot(x, wu_ref[0], preferred_element_type=jnp.float32)
        part = jnp.dot(g * jax.nn.sigmoid(g) * u, wd_ref[0],
                       preferred_element_type=jnp.float32)

        @pl.when(f == 0)
        def _():
            o_ref[pl.ds(r0, _BLK), :] = part

        @pl.when(f != 0)
        def _():
            o_ref[pl.ds(r0, _BLK), :] = o_ref[pl.ds(r0, _BLK), :] + part

        return carry

    lax.fori_loop(0, nblk, body, 0)


def _grouped_ffn(meta128, xin, gate_up_proj, down_proj):
    npad, h = xin.shape
    ff = down_proj.shape[1]
    kf = ff // _FFB
    grid_spec = pltpu.PrefetchScalarGridSpec(
        num_scalar_prefetch=1,
        grid=(_NUM_EXPERTS, kf),
        in_specs=[
            pl.BlockSpec((npad, h), lambda e, f, m: (0, 0)),
            pl.BlockSpec((1, h, _FFB), lambda e, f, m: (e, 0, f)),
            pl.BlockSpec((1, h, _FFB), lambda e, f, m: (e, 0, f + kf)),
            pl.BlockSpec((1, _FFB, h), lambda e, f, m: (e, f, 0)),
        ],
        out_specs=pl.BlockSpec((npad, h), lambda e, f, m: (0, 0)),
    )
    return pl.pallas_call(
        _expert_body,
        grid_spec=grid_spec,
        out_shape=jax.ShapeDtypeStruct((npad, h), jnp.float32),
        compiler_params=pltpu.CompilerParams(
            vmem_limit_bytes=100 * 1024 * 1024,
        ),
    )(meta128, xin, gate_up_proj, gate_up_proj, down_proj)


def _shared_body(hid_ref, rout_ref, nrm_ref, wg_ref, wu_ref, wd_ref, o_ref):
    x = nrm_ref[...]
    g = jnp.dot(x, wg_ref[...], preferred_element_type=jnp.float32)
    u = jnp.dot(x, wu_ref[...], preferred_element_type=jnp.float32)
    s = jnp.dot(g * jax.nn.sigmoid(g) * u, wd_ref[...],
                preferred_element_type=jnp.float32)
    o_ref[...] = hid_ref[...] + rout_ref[...] + s


def _shared_ffn(hid, routed, nrm, wg, wu, wd):
    t, h = nrm.shape
    ff = wg.shape[1]
    nb = t // _BLK
    return pl.pallas_call(
        _shared_body,
        grid=(nb,),
        in_specs=[
            pl.BlockSpec((_BLK, h), lambda b: (b, 0)),
            pl.BlockSpec((_BLK, h), lambda b: (b, 0)),
            pl.BlockSpec((_BLK, h), lambda b: (b, 0)),
            pl.BlockSpec((h, ff), lambda b: (0, 0)),
            pl.BlockSpec((h, ff), lambda b: (0, 0)),
            pl.BlockSpec((ff, h), lambda b: (0, 0)),
        ],
        out_specs=pl.BlockSpec((_BLK, h), lambda b: (b, 0)),
        out_shape=jax.ShapeDtypeStruct((t, h), jnp.float32),
        compiler_params=pltpu.CompilerParams(
            vmem_limit_bytes=100 * 1024 * 1024,
        ),
    )(hid, routed, nrm, wg, wu, wd)


def kernel(hidden_states, ln_gamma, ln_beta, router_w, gate_up_proj,
           down_proj, shared_gate, shared_up, shared_down):
    b, s, h = hidden_states.shape
    t = b * s
    e = router_w.shape[1]
    nb = t // _BLK + e
    npad = nb * _BLK
    hs = hidden_states.reshape(t, h)

    nrm, scl, p3, meta3 = _ln_router(hs, ln_gamma, ln_beta, router_w)
    p = p3.reshape(t)
    meta128 = meta3.reshape(-1)

    xin_sorted = _make_sc_scatter(t, npad, h)(scl, p)
    routed_sorted = _grouped_ffn(meta128, xin_sorted, gate_up_proj, down_proj)
    routed = _make_sc_gather(t, h)(routed_sorted, p)

    out = _shared_ffn(hs, routed, nrm, shared_gate, shared_up, shared_down)
    return out.reshape(b, s, h)

# --- scband reference (transcript-rebuilt; emitter-appended) ---
"""Pipeline reference for scband-llama4-text-block-9483287789693 (READ-ONLY COPY).

The authoritative reference and input builder live on the scoring server;
editing this copy changes nothing except your own understanding.
"""

import jax, jax.numpy as jnp
import numpy as np

B, S, H, FF, E, TOP_K = 1, 2048, 1024, 2048, 8, 1


def setup_inputs(seed: int = 0):
    key = jax.random.key(seed)
    ks = jax.random.split(key, 10)
    return {
        "hidden_states": jax.random.normal(ks[0], (B, S, H), dtype=jnp.float32),
        "ln_gamma": jnp.ones((H,), jnp.float32),
        "ln_beta": jnp.zeros((H,), jnp.float32),
        "router_w": jax.random.normal(ks[1], (H, E), jnp.float32) * 0.02,
        "gate_up_proj": jax.random.normal(ks[2], (E, H, 2 * FF), jnp.float32) * 0.02,
        "down_proj": jax.random.normal(ks[3], (E, FF, H), jnp.float32) * 0.02,
        "shared_gate": jax.random.normal(ks[4], (H, FF), jnp.float32) * 0.02,
        "shared_up": jax.random.normal(ks[5], (H, FF), jnp.float32) * 0.02,
        "shared_down": jax.random.normal(ks[6], (FF, H), jnp.float32) * 0.02,
    }


def reference(hidden_states, ln_gamma, ln_beta, router_w, gate_up_proj, down_proj, shared_gate, shared_up, shared_down):
    b, s, h = hidden_states.shape
    # LayerNorm
    mu = jnp.mean(hidden_states, axis=-1, keepdims=True)
    var = jnp.var(hidden_states, axis=-1, keepdims=True)
    normed = (hidden_states - mu) / jnp.sqrt(var + 1e-5) * ln_gamma + ln_beta

    hs = normed.reshape(-1, h)            # [T, H]
    t = hs.shape[0]
    # Router (Llama4: topk then scatter -inf elsewhere, sigmoid gating)
    router_logits = hs @ router_w          # [T, E]
    e = router_logits.shape[1]
    top_vals, top_idx = jax.lax.top_k(router_logits, TOP_K)
    router_scores = jnp.full_like(router_logits, -jnp.inf)
    router_scores = router_scores.at[jnp.arange(t)[:, None], top_idx].set(top_vals)
    router_scores = jax.nn.sigmoid(router_scores.astype(jnp.float32)).T  # [E, T]

    # Gather every token for every expert (faithful Llama4 dense-dispatch), scaled by gate
    gather_idx = jnp.tile(jnp.arange(t), e)               # [E*T]
    routed_in = jnp.take(hs, gather_idx, axis=0)          # [E*T, H]
    routed_in = routed_in * router_scores.reshape(-1, 1)

    # Batched experts: bmm gate_up, silu-gate, bmm down
    xe = routed_in.reshape(e, t, h)
    gate_up = jnp.einsum('eth,ehf->etf', xe, gate_up_proj)  # [E, T, 2*FF]
    gate, up = jnp.split(gate_up, 2, axis=-1)
    expert_out = jnp.einsum('etf,efh->eth', up * jax.nn.silu(gate), down_proj)
    routed_out = expert_out.reshape(e * t, h)

    # Shared expert (SwiGLU MLP on all tokens)
    shared = (jax.nn.silu(hs @ shared_gate) * (hs @ shared_up)) @ shared_down  # [T, H]

    # Scatter-add expert outputs back onto shared-expert output
    moe_out = shared.at[gather_idx].add(routed_out)       # [T, H]

    # Residual connection (TextBlock)
    return hidden_states + moe_out.reshape(b, s, h)

if __name__ == "__main__":
    import jax
    _d = setup_inputs()
    print(jax.jit(kernel)(*tuple(_d.values())))

</pallas_src>

<mosaic_0001>
#map = affine_map<(d0, d1) -> (0, 0)>
#map1 = affine_map<(d0, d1) -> (0)>
module attributes {stable_mosaic.version = 14 : i64} {
  func.func @gather_k(%arg0: i32, %arg1: i32, %arg2: memref<3072x1024xf32, #tpu.memory_space<hbm>>, %arg3: memref<2048xi32, #tpu.memory_space<hbm>>, %arg4: memref<2048x1024xf32, #tpu.memory_space<hbm>>, %arg5: memref<64xi32, #tpu.memory_space<vmem>>, %arg6: memref<64x1024xf32, #tpu.memory_space<vmem>>, %arg7: memref<!tpu.dma_semaphore, #tpu.memory_space<semaphore_mem>>) attributes {dimension_semantics = [#tpu.dimension_semantics<core_parallel>, #tpu.dimension_semantics<subcore_parallel>], iteration_bounds = array<i64: 2, 16>, scalar_prefetch = 0 : i64, scratch_operands = 3 : i64, tpu.core_type = #tpu.core_type<sc_vector_subcore>, window_params = [{transform_indices = #map}, {transform_indices = #map1}, {transform_indices = #map}]} {
    %mul3A = arith.constant 2 : i32
    %mul3A_0 = arith.muli %arg1, %mul3A : i32
    %add3A = arith.addi %mul3A_0, %arg0 : i32
    %mul3A_1 = arith.constant 64 : i32
    %mul3A_2 = arith.muli %add3A, %mul3A_1 : i32
    "tpu.region"() ({
      %run_scoped3A = tpu.sem_alloc : memref<!tpu.dma_semaphore, #tpu.memory_space<semaphore_mem>>
      %dma_start3A_7 = tpu.memref_slice %arg3[%mul3A_2] : memref<2048xi32, #tpu.memory_space<hbm>> -> memref<64xi32, #tpu.memory_space<hbm>>
      %dma_start3A_8 = tpu.memref_slice %arg3[%mul3A_2] : memref<2048xi32, #tpu.memory_space<hbm>> -> memref<64xi32, #tpu.memory_space<hbm>>
      tpu.enqueue_dma source(%dma_start3A_8 : memref<64xi32, #tpu.memory_space<hbm>>) target(%arg5 : memref<64xi32, #tpu.memory_space<vmem>>) target_semaphore(%run_scoped3A : memref<!tpu.dma_semaphore, #tpu.memory_space<semaphore_mem>>)
      %dma_wait3A_9 = tpu.memref_slice %arg3[%mul3A_2] : memref<2048xi32, #tpu.memory_space<hbm>> -> memref<64xi32, #tpu.memory_space<hbm>>
      %dma_wait3A_10 = tpu.memref_slice %arg3[%mul3A_2] : memref<2048xi32, #tpu.memory_space<hbm>> -> memref<64xi32, #tpu.memory_space<hbm>>
      tpu.wait_dma2 semaphore(%run_scoped3A : memref<!tpu.dma_semaphore, #tpu.memory_space<semaphore_mem>>) src(%dma_wait3A_10 : memref<64xi32, #tpu.memory_space<hbm>>) dst(%arg5 : memref<64xi32, #tpu.memory_space<vmem>>)
      tpu.yield
    }) : () -> ()
    %dma_start3A = arith.constant 0 : i32
    %dma_start3A_3 = arith.constant 0 : i32
    %dma_start3A_4 = tpu.memref_slice %arg2[%dma_start3A, %dma_start3A_3] : memref<3072x1024xf32, #tpu.memory_space<hbm>> -> memref<3072x1024xf32, #tpu.memory_space<hbm>>
    tpu.enqueue_indirect_dma source(%dma_start3A_4 : memref<3072x1024xf32, #tpu.memory_space<hbm>>) target(%arg6 : memref<64x1024xf32, #tpu.memory_space<vmem>>) offsets(%arg5 : memref<64xi32, #tpu.memory_space<vmem>>) semaphore(%arg7 : memref<!tpu.dma_semaphore, #tpu.memory_space<semaphore_mem>>)
    %dma_wait3A = arith.constant 0 : i32
    %dma_wait3A_5 = arith.constant 0 : i32
    %dma_wait3A_6 = tpu.memref_slice %arg2[%dma_wait3A, %dma_wait3A_5] : memref<3072x1024xf32, #tpu.memory_space<hbm>> -> memref<3072x1024xf32, #tpu.memory_space<hbm>>
    tpu.wait_indirect_dma semaphore(%arg7 : memref<!tpu.dma_semaphore, #tpu.memory_space<semaphore_mem>>) src(%dma_wait3A_6 : memref<3072x1024xf32, #tpu.memory_space<hbm>>) dst(%arg6 : memref<64x1024xf32, #tpu.memory_space<vmem>>)
    "tpu.region"() ({
      %run_scoped3A = tpu.sem_alloc : memref<!tpu.dma_semaphore, #tpu.memory_space<semaphore_mem>>
      %dma_start3A_7 = arith.constant 0 : i32
      %dma_start3A_8 = tpu.memref_slice %arg4[%mul3A_2, %dma_start3A_7] : memref<2048x1024xf32, #tpu.memory_space<hbm>> -> memref<64x1024xf32, #tpu.memory_space<hbm>>
      %dma_start3A_9 = arith.constant 0 : i32
      %dma_start3A_10 = tpu.memref_slice %arg4[%mul3A_2, %dma_start3A_9] : memref<2048x1024xf32, #tpu.memory_space<hbm>> -> memref<64x1024xf32, #tpu.memory_space<hbm>>
      tpu.enqueue_dma source(%arg6 : memref<64x1024xf32, #tpu.memory_space<vmem>>) target(%dma_start3A_10 : memref<64x1024xf32, #tpu.memory_space<hbm>>) target_semaphore(%run_scoped3A : memref<!tpu.dma_semaphore, #tpu.memory_space<semaphore_mem>>)
      %dma_wait3A_11 = arith.constant 0 : i32
      %dma_wait3A_12 = tpu.memref_slice %arg4[%mul3A_2, %dma_wait3A_11] : memref<2048x1024xf32, #tpu.memory_space<hbm>> -> memref<64x1024xf32, #tpu.memory_space<hbm>>
      %dma_wait3A_13 = arith.constant 0 : i32
      %dma_wait3A_14 = tpu.memref_slice %arg4[%mul3A_2, %dma_wait3A_13] : memref<2048x1024xf32, #tpu.memory_space<hbm>> -> memref<64x1024xf32, #tpu.memory_space<hbm>>
      tpu.wait_dma2 semaphore(%run_scoped3A : memref<!tpu.dma_semaphore, #tpu.memory_space<semaphore_mem>>) src(%arg6 : memref<64x1024xf32, #tpu.memory_space<vmem>>) dst(%dma_wait3A_14 : memref<64x1024xf32, #tpu.memory_space<hbm>>)
      tpu.yield
    }) : () -> ()
    return
  }
}

#map = affine_map<(d0, d1) -> (0, 0)>
#map1 = affine_map<(d0, d1) -> (0)>
module attributes {stable_mosaic.version = 14 : i64} {
  func.func @scatter_k(%arg0: i32, %arg1: i32, %arg2: memref<2048x1024xf32, #tpu.memory_space<hbm>>, %arg3: memref<2048xi32, #tpu.memory_space<hbm>>, %arg4: memref<3072x1024xf32, #tpu.memory_space<hbm>>, %arg5: memref<64xi32, #tpu.memory_space<vmem>>, %arg6: memref<64x1024xf32, #tpu.memory_space<vmem>>, %arg7: memref<!tpu.dma_semaphore, #tpu.memory_space<semaphore_mem>>) attributes {dimension_semantics = [#tpu.dimension_semantics<core_parallel>, #tpu.dimension_semantics<subcore_parallel>], iteration_bounds = array<i64: 2, 16>, scalar_prefetch = 0 : i64, scratch_operands = 3 : i64, tpu.core_type = #tpu.core_type<sc_vector_subcore>, window_params = [{transform_indices = #map}, {transform_indices = #map1}, {transform_indices = #map}]} {
    %mul3A = arith.constant 2 : i32
    %mul3A_0 = arith.muli %arg1, %mul3A : i32
    %add3A = arith.addi %mul3A_0, %arg0 : i32
    %mul3A_1 = arith.constant 64 : i32
    %mul3A_2 = arith.muli %add3A, %mul3A_1 : i32
    "tpu.region"() ({
      %run_scoped3A = tpu.sem_alloc : memref<!tpu.dma_semaphore, #tpu.memory_space<semaphore_mem>>
      %dma_start3A_7 = tpu.memref_slice %arg3[%mul3A_2] : memref<2048xi32, #tpu.memory_space<hbm>> -> memref<64xi32, #tpu.memory_space<hbm>>
      %dma_start3A_8 = tpu.memref_slice %arg3[%mul3A_2] : memref<2048xi32, #tpu.memory_space<hbm>> -> memref<64xi32, #tpu.memory_space<hbm>>
      tpu.enqueue_dma source(%dma_start3A_8 : memref<64xi32, #tpu.memory_space<hbm>>) target(%arg5 : memref<64xi32, #tpu.memory_space<vmem>>) target_semaphore(%run_scoped3A : memref<!tpu.dma_semaphore, #tpu.memory_space<semaphore_mem>>)
      %dma_wait3A_9 = tpu.memref_slice %arg3[%mul3A_2] : memref<2048xi32, #tpu.memory_space<hbm>> -> memref<64xi32, #tpu.memory_space<hbm>>
      %dma_wait3A_10 = tpu.memref_slice %arg3[%mul3A_2] : memref<2048xi32, #tpu.memory_space<hbm>> -> memref<64xi32, #tpu.memory_space<hbm>>
      tpu.wait_dma2 semaphore(%run_scoped3A : memref<!tpu.dma_semaphore, #tpu.memory_space<semaphore_mem>>) src(%dma_wait3A_10 : memref<64xi32, #tpu.memory_space<hbm>>) dst(%arg5 : memref<64xi32, #tpu.memory_space<vmem>>)
      tpu.yield
    }) : () -> ()
    "tpu.region"() ({
      %run_scoped3A = tpu.sem_alloc : memref<!tpu.dma_semaphore, #tpu.memory_space<semaphore_mem>>
      %dma_start3A_7 = arith.constant 0 : i32
      %dma_start3A_8 = tpu.memref_slice %arg2[%mul3A_2, %dma_start3A_7] : memref<2048x1024xf32, #tpu.memory_space<hbm>> -> memref<64x1024xf32, #tpu.memory_space<hbm>>
      %dma_start3A_9 = arith.constant 0 : i32
      %dma_start3A_10 = tpu.memref_slice %arg2[%mul3A_2, %dma_start3A_9] : memref<2048x1024xf32, #tpu.memory_space<hbm>> -> memref<64x1024xf32, #tpu.memory_space<hbm>>
      tpu.enqueue_dma source(%dma_start3A_10 : memref<64x1024xf32, #tpu.memory_space<hbm>>) target(%arg6 : memref<64x1024xf32, #tpu.memory_space<vmem>>) target_semaphore(%run_scoped3A : memref<!tpu.dma_semaphore, #tpu.memory_space<semaphore_mem>>)
      %dma_wait3A_11 = arith.constant 0 : i32
      %dma_wait3A_12 = tpu.memref_slice %arg2[%mul3A_2, %dma_wait3A_11] : memref<2048x1024xf32, #tpu.memory_space<hbm>> -> memref<64x1024xf32, #tpu.memory_space<hbm>>
      %dma_wait3A_13 = arith.constant 0 : i32
      %dma_wait3A_14 = tpu.memref_slice %arg2[%mul3A_2, %dma_wait3A_13] : memref<2048x1024xf32, #tpu.memory_space<hbm>> -> memref<64x1024xf32, #tpu.memory_space<hbm>>
      tpu.wait_dma2 semaphore(%run_scoped3A : memref<!tpu.dma_semaphore, #tpu.memory_space<semaphore_mem>>) src(%dma_wait3A_14 : memref<64x1024xf32, #tpu.memory_space<hbm>>) dst(%arg6 : memref<64x1024xf32, #tpu.memory_space<vmem>>)
      tpu.yield
    }) : () -> ()
    %dma_start3A = arith.constant 0 : i32
    %dma_start3A_3 = arith.constant 0 : i32
    %dma_start3A_4 = tpu.memref_slice %arg4[%dma_start3A, %dma_start3A_3] : memref<3072x1024xf32, #tpu.memory_space<hbm>> -> memref<3072x1024xf32, #tpu.memory_space<hbm>>
    tpu.enqueue_indirect_dma source(%arg6 : memref<64x1024xf32, #tpu.memory_space<vmem>>) target(%dma_start3A_4 : memref<3072x1024xf32, #tpu.memory_space<hbm>>) offsets(%arg5 : memref<64xi32, #tpu.memory_space<vmem>>) semaphore(%arg7 : memref<!tpu.dma_semaphore, #tpu.memory_space<semaphore_mem>>)
    %dma_wait3A = arith.constant 0 : i32
    %dma_wait3A_5 = arith.constant 0 : i32
    %dma_wait3A_6 = tpu.memref_slice %arg4[%dma_wait3A, %dma_wait3A_5] : memref<3072x1024xf32, #tpu.memory_space<hbm>> -> memref<3072x1024xf32, #tpu.memory_space<hbm>>
    tpu.wait_indirect_dma semaphore(%arg7 : memref<!tpu.dma_semaphore, #tpu.memory_space<semaphore_mem>>) src(%arg6 : memref<64x1024xf32, #tpu.memory_space<vmem>>) dst(%dma_wait3A_6 : memref<3072x1024xf32, #tpu.memory_space<hbm>>)
    return
  }
}

module attributes {stable_mosaic.version = 14 : i64} {
  func.func @_ln_router_body(%arg0: i32, %arg1: memref<512x1024xf32, #tpu.memory_space<vmem>>, %arg2: memref<1x1024xf32, #tpu.memory_space<vmem>>, %arg3: memref<1x1024xf32, #tpu.memory_space<vmem>>, %arg4: memref<1024x128xf32, #tpu.memory_space<vmem>>, %arg5: memref<512x1024xf32, #tpu.memory_space<vmem>>, %arg6: memref<512x1024xf32, #tpu.memory_space<vmem>>, %arg7: memref<4x4x128xi32, #tpu.memory_space<vmem>>, %arg8: memref<1x1x128xi32, #tpu.memory_space<vmem>>, %arg9: memref<4x512x128xbf16, #tpu.memory_space<vmem>>, %arg10: memref<4x1x128xf32, #tpu.memory_space<vmem>>, %arg11: memref<1x128xf32, #tpu.memory_space<vmem>>) attributes {dimension_semantics = [#tpu.dimension_semantics<arbitrary>], iteration_bounds = array<i64: 5>, scalar_prefetch = 0 : i64, scratch_operands = 3 : i64, tpu.core_type = #tpu.core_type<tc>, window_params = [{transform_indices = @transform_0, window_bounds = array<i64: 512, 1024>}, {pipeline_mode = #tpu.pipeline_mode<synchronous>, transform_indices = @transform_1, window_bounds = array<i64: 1, 1024>}, {pipeline_mode = #tpu.pipeline_mode<synchronous>, transform_indices = @transform_2, window_bounds = array<i64: 1, 1024>}, {pipeline_mode = #tpu.pipeline_mode<synchronous>, transform_indices = @transform_3, window_bounds = array<i64: 1024, 128>}, {transform_indices = @transform_4, window_bounds = array<i64: 512, 1024>}, {transform_indices = @transform_5, window_bounds = array<i64: 512, 1024>}, {pipeline_mode = #tpu.pipeline_mode<synchronous>, transform_indices = @transform_6, window_bounds = array<i64: 4, 4, 128>}, {pipeline_mode = #tpu.pipeline_mode<synchronous>, transform_indices = @transform_7, window_bounds = array<i64: 1, 1, 128>}]} {
    %iota3A = tpu.iota {dimensions = array<i32: 1>} : vector<512x128xi32>
    %broadcast_in_dim3A = arith.constant 1.000000e+00 : f32
    %broadcast_in_dim3A_0 = vector.broadcast %broadcast_in_dim3A : f32 to vector<1x512xf32>
    %eq3A = arith.constant 0 : i32
    %eq3A_1 = arith.cmpi eq, %arg0, %eq3A : i32
    %convert_element_type3A = arith.extui %eq3A_1 : i1 to i32
    %cond3A = arith.constant 0 : i32
    %cond3A_2 = arith.cmpi ne, %convert_element_type3A, %cond3A : i32
    scf.if %cond3A_2 {
      %broadcast_in_dim3A_12 = arith.constant 0.000000e+00 : f32
      %broadcast_in_dim3A_13 = vector.broadcast %broadcast_in_dim3A_12 : f32 to vector<1x128xf32>
      %swap3A = arith.constant 0 : index
      %swap3A_14 = arith.constant 0 : index
      %swap3A_15 = vector.load %arg11[%swap3A, %swap3A_14] : memref<1x128xf32, #tpu.memory_space<vmem>>, vector<1x128xf32>
      tpu.vector_store %arg11[%swap3A, %swap3A_14], %broadcast_in_dim3A_13 {strides = array<i32>} : memref<1x128xf32, #tpu.memory_space<vmem>>, vector<1x128xf32>,
    } else {
    }
    %lt3A = arith.constant 4 : i32
    %lt3A_3 = arith.cmpi slt, %arg0, %lt3A : i32
    %convert_element_type3A_4 = arith.extui %lt3A_3 : i1 to i32
    %cond3A_5 = arith.constant 0 : i32
    %cond3A_6 = arith.cmpi ne, %convert_element_type3A_4, %cond3A_5 : i32
    scf.if %cond3A_6 {
      %get3A = arith.constant 0 : index
      %get3A_12 = arith.constant 0 : index
      %get3A_13 = vector.load %arg1[%get3A, %get3A_12] : memref<512x1024xf32, #tpu.memory_space<vmem>>, vector<512x1024xf32>
      %reduce_sum3A = arith.constant dense<0.000000e+00> : vector<512xf32>
      %reduce_sum3A_14 = vector.multi_reduction <add>, %get3A_13, %reduce_sum3A [1] : vector<512x1024xf32> to vector<512xf32>
      %broadcast_in_dim3A_15 = vector.shape_cast %reduce_sum3A_14 : vector<512xf32> to vector<512x1xf32>
      %div3A = arith.constant 1.024000e+03 : f32
      %div3A_16 = vector.broadcast %div3A : f32 to vector<512x1xf32>
      %div3A_17 = arith.divf %broadcast_in_dim3A_15, %div3A_16 : vector<512x1xf32>
      %sub3A = vector.broadcast %div3A_17 : vector<512x1xf32> to vector<512x1024xf32>
      %sub3A_18 = arith.subf %get3A_13, %sub3A : vector<512x1024xf32>
      %mul3A = arith.mulf %sub3A_18, %sub3A_18 : vector<512x1024xf32>
      %reduce_sum3A_19 = arith.constant dense<0.000000e+00> : vector<512xf32>
      %reduce_sum3A_20 = vector.multi_reduction <add>, %mul3A, %reduce_sum3A_19 [1] : vector<512x1024xf32> to vector<512xf32>
      %broadcast_in_dim3A_21 = vector.shape_cast %reduce_sum3A_20 : vector<512xf32> to vector<512x1xf32>
      %div3A_22 = arith.constant 1.024000e+03 : f32
      %div3A_23 = vector.broadcast %div3A_22 : f32 to vector<512x1xf32>
      %div3A_24 = arith.divf %broadcast_in_dim3A_21, %div3A_23 : vector<512x1xf32>
      %add3A = arith.constant 9.99999974E-6 : f32
      %add3A_25 = vector.broadcast %add3A : f32 to vector<512x1xf32>
      %add3A_26 = arith.addf %div3A_24, %add3A_25 : vector<512x1xf32>
      %rsqrt3A = math.rsqrt %add3A_26 : vector<512x1xf32>
      %mul3A_27 = vector.broadcast %rsqrt3A : vector<512x1xf32> to vector<512x1024xf32>
      %mul3A_28 = arith.mulf %sub3A_18, %mul3A_27 : vector<512x1024xf32>
      %get3A_29 = arith.constant 0 : index
      %get3A_30 = arith.constant 0 : index
      %get3A_31 = vector.load %arg2[%get3A_29, %get3A_30] : memref<1x1024xf32, #tpu.memory_space<vmem>>, vector<1x1024xf32>
      %mul3A_32 = vector.broadcast %get3A_31 : vector<1x1024xf32> to vector<512x1024xf32>
      %mul3A_33 = arith.mulf %mul3A_28, %mul3A_32 : vector<512x1024xf32>
      %get3A_34 = arith.constant 0 : index
      %get3A_35 = arith.constant 0 : index
      %get3A_36 = vector.load %arg3[%get3A_34, %get3A_35] : memref<1x1024xf32, #tpu.memory_space<vmem>>, vector<1x1024xf32>
      %add3A_37 = vector.broadcast %get3A_36 : vector<1x1024xf32> to vector<512x1024xf32>
      %add3A_38 = arith.addf %mul3A_33, %add3A_37 : vector<512x1024xf32>
      %get3A_39 = arith.constant 0 : index
      %get3A_40 = arith.constant 0 : index
      %get3A_41 = vector.load %arg4[%get3A_39, %get3A_40] : memref<1024x128xf32, #tpu.memory_space<vmem>>, vector<1024x128xf32>
      %dot_general3A = arith.constant dense<0.000000e+00> : vector<512x128xf32>
      %dot_general3A_42 = tpu.matmul %add3A_38, %get3A_41, %dot_general3A {dimension_numbers = #tpu.dot_dimension_numbers<[1], [0], [0], [1], [0, 0, 1, 1], [], []>, transpose_lhs_hint = false} : vector<512x1024xf32>, vector<1024x128xf32>, vector<512x128xf32> -> vector<512x128xf32>
      %lt3A_43 = arith.constant 8 : i32
      %lt3A_44 = vector.broadcast %lt3A_43 : i32 to vector<512x128xi32>
      %lt3A_45 = arith.cmpi slt, %iota3A, %lt3A_44 : vector<512x128xi32>
      %jit3A = arith.constant -1.000000e+30 : f32
      %broadcast_in_dim3A_46 = vector.broadcast %jit3A : f32 to vector<512x128xf32>
      %select_n3A = arith.select %lt3A_45, %dot_general3A_42, %broadcast_in_dim3A_46 : vector<512x128xi1>, vector<512x128xf32>
      %reduce_max3A = arith.constant dense<0xFF800000> : vector<512xf32>
      %reduce_max3A_47 = vector.multi_reduction <maximumf>, %select_n3A, %reduce_max3A [1] : vector<512x128xf32> to vector<512xf32>
      %broadcast_in_dim3A_48 = vector.shape_cast %reduce_max3A_47 : vector<512xf32> to vector<512x1xf32>
      %eq3A_49 = vector.broadcast %broadcast_in_dim3A_48 : vector<512x1xf32> to vector<512x128xf32>
      %eq3A_50 = arith.cmpf oeq, %select_n3A, %eq3A_49 : vector<512x128xf32>
      %jit3A_51 = arith.constant 128 : i32
      %broadcast_in_dim3A_52 = vector.broadcast %jit3A_51 : i32 to vector<512x128xi32>
      %select_n3A_53 = arith.select %eq3A_50, %iota3A, %broadcast_in_dim3A_52 : vector<512x128xi1>, vector<512x128xi32>
      %reduce_min3A = arith.constant dense<2147483647> : vector<512xi32>
      %reduce_min3A_54 = vector.multi_reduction <minsi>, %select_n3A_53, %reduce_min3A [1] : vector<512x128xi32> to vector<512xi32>
      %broadcast_in_dim3A_55 = vector.shape_cast %reduce_min3A_54 : vector<512xi32> to vector<512x1xi32>
      %swap3A = arith.constant 0 : index
      %swap3A_56 = arith.constant 0 : index
      %swap3A_57 = vector.load %arg5[%swap3A, %swap3A_56] : memref<512x1024xf32, #tpu.memory_space<vmem>>, vector<512x1024xf32>
      tpu.vector_store %arg5[%swap3A, %swap3A_56], %add3A_38 {strides = array<i32>} : memref<512x1024xf32, #tpu.memory_space<vmem>>, vector<512x1024xf32>,
      %logistic3A = arith.negf %broadcast_in_dim3A_48 : vector<512x1xf32>
      %logistic3A_58 = math.exp %logistic3A : vector<512x1xf32>
      %logistic3A_59 = arith.constant 1.000000e+00 : f32
      %logistic3A_60 = vector.broadcast %logistic3A_59 : f32 to vector<512x1xf32>
      %logistic3A_61 = arith.addf %logistic3A_60, %logistic3A_58 : vector<512x1xf32>
      %logistic3A_62 = arith.divf %logistic3A_60, %logistic3A_61 : vector<512x1xf32>
      %mul3A_63 = vector.broadcast %logistic3A_62 : vector<512x1xf32> to vector<512x1024xf32>
      %mul3A_64 = arith.mulf %add3A_38, %mul3A_63 : vector<512x1024xf32>
      %swap3A_65 = arith.constant 0 : index
      %swap3A_66 = arith.constant 0 : index
      %swap3A_67 = vector.load %arg6[%swap3A_65, %swap3A_66] : memref<512x1024xf32, #tpu.memory_space<vmem>>, vector<512x1024xf32>
      tpu.vector_store %arg6[%swap3A_65, %swap3A_66], %mul3A_64 {strides = array<i32>} : memref<512x1024xf32, #tpu.memory_space<vmem>>, vector<512x1024xf32>,
      %eq3A_68 = vector.broadcast %broadcast_in_dim3A_55 : vector<512x1xi32> to vector<512x128xi32>
      %eq3A_69 = arith.cmpi eq, %iota3A, %eq3A_68 : vector<512x128xi32>
      %convert_element_type3A_70 = arith.extui %eq3A_69 : vector<512x128xi1> to vector<512x128xi32>
      %convert_element_type3A_71 = arith.sitofp %convert_element_type3A_70 : vector<512x128xi32> to vector<512x128xf32>
      %dot_general3A_72 = arith.constant dense<0.000000e+00> : vector<1x128xf32>
      %dot_general3A_73 = tpu.matmul %broadcast_in_dim3A_0, %convert_element_type3A_71, %dot_general3A_72 {dimension_numbers = #tpu.dot_dimension_numbers<[1], [0], [0], [1], [0, 0, 1, 1], [], []>, transpose_lhs_hint = false} : vector<1x512xf32>, vector<512x128xf32>, vector<1x128xf32> -> vector<1x128xf32>
      %get3A_74 = arith.constant 0 : index
      %get3A_75 = arith.constant 0 : index
      %get3A_76 = vector.load %arg11[%get3A_74, %get3A_75] : memref<1x128xf32, #tpu.memory_space<vmem>>, vector<1x128xf32>
      %swap3A_77 = arith.index_cast %arg0 : i32 to index
      %swap3A_78 = arith.constant 0 : index
      %swap3A_79 = arith.constant 0 : index
      %swap3A_80 = vector.load %arg10[%swap3A_77, %swap3A_78, %swap3A_79] : memref<4x1x128xf32, #tpu.memory_space<vmem>>, vector<1x1x128xf32>
      %swap3A_81 = vector.shape_cast %swap3A_80 : vector<1x1x128xf32> to vector<1x128xf32>
      %swap3A_82 = vector.shape_cast %get3A_76 : vector<1x128xf32> to vector<1x1x128xf32>
      tpu.vector_store %arg10[%swap3A_77, %swap3A_78, %swap3A_79], %swap3A_82 {strides = array<i32>} : memref<4x1x128xf32, #tpu.memory_space<vmem>>, vector<1x1x128xf32>,
      %convert_element_type3A_83 = arith.truncf %convert_element_type3A_71 : vector<512x128xf32> to vector<512x128xbf16>
      %swap3A_84 = arith.index_cast %arg0 : i32 to index
      %swap3A_85 = arith.constant 0 : index
      %swap3A_86 = arith.constant 0 : index
      %swap3A_87 = vector.load %arg9[%swap3A_84, %swap3A_85, %swap3A_86] : memref<4x512x128xbf16, #tpu.memory_space<vmem>>, vector<1x512x128xbf16>
      %swap3A_88 = vector.shape_cast %swap3A_87 : vector<1x512x128xbf16> to vector<512x128xbf16>
      %swap3A_89 = vector.shape_cast %convert_element_type3A_83 : vector<512x128xbf16> to vector<1x512x128xbf16>
      tpu.vector_store %arg9[%swap3A_84, %swap3A_85, %swap3A_86], %swap3A_89 {strides = array<i32>} : memref<4x512x128xbf16, #tpu.memory_space<vmem>>, vector<1x512x128xbf16>,
      %get3A_90 = arith.constant 0 : index
      %get3A_91 = arith.constant 0 : index
      %get3A_92 = vector.load %arg11[%get3A_90, %get3A_91] : memref<1x128xf32, #tpu.memory_space<vmem>>, vector<1x128xf32>
      %add3A_93 = arith.addf %get3A_92, %dot_general3A_73 : vector<1x128xf32>
      %swap3A_94 = arith.constant 0 : index
      %swap3A_95 = arith.constant 0 : index
      %swap3A_96 = vector.load %arg11[%swap3A_94, %swap3A_95] : memref<1x128xf32, #tpu.memory_space<vmem>>, vector<1x128xf32>
      tpu.vector_store %arg11[%swap3A_94, %swap3A_95], %add3A_93 {strides = array<i32>} : memref<1x128xf32, #tpu.memory_space<vmem>>, vector<1x128xf32>,
    } else {
    }
    %eq3A_7 = arith.constant 4 : i32
    %eq3A_8 = arith.cmpi eq, %arg0, %eq3A_7 : i32
    %convert_element_type3A_9 = arith.extui %eq3A_8 : i1 to i32
    %cond3A_10 = arith.constant 0 : i32
    %cond3A_11 = arith.cmpi ne, %convert_element_type3A_9, %cond3A_10 : i32
    scf.if %cond3A_11 {
      %iota3A_12 = tpu.iota {dimensions = array<i32: 0>} : vector<512x512xi32>
      %iota3A_13 = tpu.iota {dimensions = array<i32: 1>} : vector<512x512xi32>
      %lt3A_14 = arith.cmpi slt, %iota3A_13, %iota3A_12 : vector<512x512xi32>
      %convert_element_type3A_15 = arith.extui %lt3A_14 : vector<512x512xi1> to vector<512x512xi32>
      %convert_element_type3A_16 = arith.sitofp %convert_element_type3A_15 : vector<512x512xi32> to vector<512x512xf32>
      %iota3A_17 = tpu.iota {dimensions = array<i32: 0>} : vector<128x128xi32>
      %iota3A_18 = tpu.iota {dimensions = array<i32: 1>} : vector<128x128xi32>
      %lt3A_19 = arith.cmpi slt, %iota3A_17, %iota3A_18 : vector<128x128xi32>
      %convert_element_type3A_20 = arith.extui %lt3A_19 : vector<128x128xi1> to vector<128x128xi32>
      %convert_element_type3A_21 = arith.sitofp %convert_element_type3A_20 : vector<128x128xi32> to vector<128x128xf32>
      %get3A = arith.constant 0 : index
      %get3A_22 = arith.constant 0 : index
      %get3A_23 = vector.load %arg11[%get3A, %get3A_22] : memref<1x128xf32, #tpu.memory_space<vmem>>, vector<1x128xf32>
      %add3A = arith.constant 1.270000e+02 : f32
      %add3A_24 = vector.broadcast %add3A : f32 to vector<1x128xf32>
      %add3A_25 = arith.addf %get3A_23, %add3A_24 : vector<1x128xf32>
      %div3A = arith.constant 1.280000e+02 : f32
      %div3A_26 = vector.broadcast %div3A : f32 to vector<1x128xf32>
      %div3A_27 = arith.divf %add3A_25, %div3A_26 : vector<1x128xf32>
      %floor3A = math.floor %div3A_27 : vector<1x128xf32>
      %mul3A = arith.constant 1.280000e+02 : f32
      %mul3A_28 = vector.broadcast %mul3A : f32 to vector<1x128xf32>
      %mul3A_29 = arith.mulf %floor3A, %mul3A_28 : vector<1x128xf32>
      %dot_general3A = arith.constant dense<0.000000e+00> : vector<1x128xf32>
      %dot_general3A_30 = tpu.matmul %mul3A_29, %convert_element_type3A_21, %dot_general3A {dimension_numbers = #tpu.dot_dimension_numbers<[1], [0], [0], [1], [0, 0, 1, 1], [], []>, transpose_lhs_hint = false} : vector<1x128xf32>, vector<128x128xf32>, vector<1x128xf32> -> vector<1x128xf32>
      %add3A_31 = arith.constant 8 : i32
      %add3A_32 = vector.broadcast %add3A_31 : i32 to vector<128x128xi32>
      %add3A_33 = arith.addi %iota3A_17, %add3A_32 : vector<128x128xi32>
      %eq3A_34 = arith.cmpi eq, %add3A_33, %iota3A_18 : vector<128x128xi32>
      %convert_element_type3A_35 = arith.extui %eq3A_34 : vector<128x128xi1> to vector<128x128xi32>
      %convert_element_type3A_36 = arith.sitofp %convert_element_type3A_35 : vector<128x128xi32> to vector<128x128xf32>
      %iota3A_37 = tpu.iota {dimensions = array<i32: 1>} : vector<1x128xi32>
      %lt3A_38 = arith.constant 8 : i32
      %lt3A_39 = vector.broadcast %lt3A_38 : i32 to vector<1x128xi32>
      %lt3A_40 = arith.cmpi slt, %iota3A_37, %lt3A_39 : vector<1x128xi32>
      %div3A_41 = arith.constant 1.280000e+02 : f32
      %div3A_42 = vector.broadcast %div3A_41 : f32 to vector<1x128xf32>
      %div3A_43 = arith.divf %mul3A_29, %div3A_42 : vector<1x128xf32>
      %dot_general3A_44 = arith.constant dense<0.000000e+00> : vector<1x128xf32>
      %dot_general3A_45 = tpu.matmul %div3A_43, %convert_element_type3A_36, %dot_general3A_44 {dimension_numbers = #tpu.dot_dimension_numbers<[1], [0], [0], [1], [0, 0, 1, 1], [], []>, transpose_lhs_hint = false} : vector<1x128xf32>, vector<128x128xf32>, vector<1x128xf32> -> vector<1x128xf32>
      %select_n3A = arith.select %lt3A_40, %dot_general3A_30, %dot_general3A_45 : vector<1x128xi1>, vector<1x128xf32>
      %convert_element_type3A_46 = arith.fptosi %select_n3A : vector<1x128xf32> to vector<1x128xi32>
      %reshape3A = vector.shape_cast %convert_element_type3A_46 : vector<1x128xi32> to vector<1x1x128xi32>
      %swap3A = arith.constant 0 : index
      %swap3A_47 = arith.constant 0 : index
      %swap3A_48 = arith.constant 0 : index
      %swap3A_49 = vector.load %arg8[%swap3A, %swap3A_47, %swap3A_48] : memref<1x1x128xi32, #tpu.memory_space<vmem>>, vector<1x1x128xi32>
      tpu.vector_store %arg8[%swap3A, %swap3A_47, %swap3A_48], %reshape3A {strides = array<i32>} : memref<1x1x128xi32, #tpu.memory_space<vmem>>, vector<1x1x128xi32>,
      %scan3A = arith.constant 0 : i32
      %scan3A_50 = arith.constant 4 : i32
      %scan3A_51 = arith.addi %scan3A, %scan3A_50 : i32
      %scan3A_52 = arith.constant 1 : i32
      scf.for %scan3A_54 = %scan3A to %scan3A_51 step %scan3A_52  : i32 {
        %get3A_55 = arith.index_cast %scan3A_54 : i32 to index
        %get3A_56 = arith.constant 0 : index
        %get3A_57 = arith.constant 0 : index
        %get3A_58 = vector.load %arg9[%get3A_55, %get3A_56, %get3A_57] : memref<4x512x128xbf16, #tpu.memory_space<vmem>>, vector<1x512x128xbf16>
        %get3A_59 = vector.shape_cast %get3A_58 : vector<1x512x128xbf16> to vector<512x128xbf16>
        %convert_element_type3A_60 = arith.extf %get3A_59 : vector<512x128xbf16> to vector<512x128xf32>
        %dot_general3A_61 = arith.constant dense<0.000000e+00> : vector<512x128xf32>
        %dot_general3A_62 = tpu.matmul %convert_element_type3A_16, %convert_element_type3A_60, %dot_general3A_61 {dimension_numbers = #tpu.dot_dimension_numbers<[1], [0], [0], [1], [0, 0, 1, 1], [], []>, transpose_lhs_hint = false} : vector<512x512xf32>, vector<512x128xf32>, vector<512x128xf32> -> vector<512x128xf32>
        %add3A_63 = vector.broadcast %dot_general3A_30 : vector<1x128xf32> to vector<512x128xf32>
        %add3A_64 = arith.addf %dot_general3A_62, %add3A_63 : vector<512x128xf32>
        %get3A_65 = arith.index_cast %scan3A_54 : i32 to index
        %get3A_66 = arith.constant 0 : index
        %get3A_67 = arith.constant 0 : index
        %get3A_68 = vector.load %arg10[%get3A_65, %get3A_66, %get3A_67] : memref<4x1x128xf32, #tpu.memory_space<vmem>>, vector<1x1x128xf32>
        %get3A_69 = vector.shape_cast %get3A_68 : vector<1x1x128xf32> to vector<1x128xf32>
        %add3A_70 = vector.broadcast %get3A_69 : vector<1x128xf32> to vector<512x128xf32>
        %add3A_71 = arith.addf %add3A_64, %add3A_70 : vector<512x128xf32>
        %mul3A_72 = arith.mulf %convert_element_type3A_60, %add3A_71 : vector<512x128xf32>
        %reduce_sum3A = arith.constant dense<0.000000e+00> : vector<512xf32>
        %reduce_sum3A_73 = vector.multi_reduction <add>, %mul3A_72, %reduce_sum3A [1] : vector<512x128xf32> to vector<512xf32>
        %reshape3A_74 = vector.shape_cast %reduce_sum3A_73 : vector<512xf32> to vector<4x128xf32>
        %convert_element_type3A_75 = arith.fptosi %reshape3A_74 : vector<4x128xf32> to vector<4x128xi32>
        %swap3A_76 = arith.index_cast %scan3A_54 : i32 to index
        %swap3A_77 = arith.constant 0 : index
        %swap3A_78 = arith.constant 0 : index
        %swap3A_79 = vector.load %arg7[%swap3A_76, %swap3A_77, %swap3A_78] : memref<4x4x128xi32, #tpu.memory_space<vmem>>, vector<1x4x128xi32>
        %swap3A_80 = vector.shape_cast %swap3A_79 : vector<1x4x128xi32> to vector<4x128xi32>
        %swap3A_81 = vector.shape_cast %convert_element_type3A_75 : vector<4x128xi32> to vector<1x4x128xi32>
        tpu.vector_store %arg7[%swap3A_76, %swap3A_77, %swap3A_78], %swap3A_81 {strides = array<i32>} : memref<4x4x128xi32, #tpu.memory_space<vmem>>, vector<1x4x128xi32>,
      }
      %scan3A_53 = arith.constant 4 : i32
    } else {
    }
    return
  }
  func.func @transform_0(%arg0: i32) -> (i32, i32) {
    %min3A = arith.constant 3 : i32
    %min3A_0 = arith.minsi %arg0, %min3A : i32
    %c0_i32 = arith.constant 0 : i32
    %c0_i32_1 = arith.constant 0 : i32
    return %min3A_0, %c0_i32 : i32, i32
  }
  func.func @transform_1(%arg0: i32) -> (i32, i32) {
    %c0_i32 = arith.constant 0 : i32
    %c0_i32_0 = arith.constant 0 : i32
    %c0_i32_1 = arith.constant 0 : i32
    return %c0_i32, %c0_i32_0 : i32, i32
  }
  func.func @transform_2(%arg0: i32) -> (i32, i32) {
    %c0_i32 = arith.constant 0 : i32
    %c0_i32_0 = arith.constant 0 : i32
    %c0_i32_1 = arith.constant 0 : i32
    return %c0_i32, %c0_i32_0 : i32, i32
  }
  func.func @transform_3(%arg0: i32) -> (i32, i32) {
    %c0_i32 = arith.constant 0 : i32
    %c0_i32_0 = arith.constant 0 : i32
    %c0_i32_1 = arith.constant 0 : i32
    return %c0_i32, %c0_i32_0 : i32, i32
  }
  func.func @transform_4(%arg0: i32) -> (i32, i32) {
    %min3A = arith.constant 3 : i32
    %min3A_0 = arith.minsi %arg0, %min3A : i32
    %c0_i32 = arith.constant 0 : i32
    %c0_i32_1 = arith.constant 0 : i32
    return %min3A_0, %c0_i32 : i32, i32
  }
  func.func @transform_5(%arg0: i32) -> (i32, i32) {
    %min3A = arith.constant 3 : i32
    %min3A_0 = arith.minsi %arg0, %min3A : i32
    %c0_i32 = arith.constant 0 : i32
    %c0_i32_1 = arith.constant 0 : i32
    return %min3A_0, %c0_i32 : i32, i32
  }
  func.func @transform_6(%arg0: i32) -> (i32, i32, i32) {
    %c0_i32 = arith.constant 0 : i32
    %c0_i32_0 = arith.constant 0 : i32
    %c0_i32_1 = arith.constant 0 : i32
    %c0_i32_2 = arith.constant 0 : i32
    return %c0_i32, %c0_i32_0, %c0_i32_1 : i32, i32, i32
  }
  func.func @transform_7(%arg0: i32) -> (i32, i32, i32) {
    %c0_i32 = arith.constant 0 : i32
    %c0_i32_0 = arith.constant 0 : i32
    %c0_i32_1 = arith.constant 0 : i32
    %c0_i32_2 = arith.constant 0 : i32
    return %c0_i32, %c0_i32_0, %c0_i32_1 : i32, i32, i32
  }
}

module attributes {stable_mosaic.version = 14 : i64} {
  func.func @_shared_body(%arg0: i32, %arg1: memref<128x1024xf32, #tpu.memory_space<vmem>>, %arg2: memref<128x1024xf32, #tpu.memory_space<vmem>>, %arg3: memref<128x1024xf32, #tpu.memory_space<vmem>>, %arg4: memref<1024x2048xf32, #tpu.memory_space<vmem>>, %arg5: memref<1024x2048xf32, #tpu.memory_space<vmem>>, %arg6: memref<2048x1024xf32, #tpu.memory_space<vmem>>, %arg7: memref<128x1024xf32, #tpu.memory_space<vmem>>) attributes {dimension_semantics = [#tpu.dimension_semantics<arbitrary>], iteration_bounds = array<i64: 16>, scalar_prefetch = 0 : i64, scratch_operands = 0 : i64, tpu.core_type = #tpu.core_type<tc>, window_params = [{transform_indices = @transform_0, window_bounds = array<i64: 128, 1024>}, {transform_indices = @transform_1, window_bounds = array<i64: 128, 1024>}, {transform_indices = @transform_2, window_bounds = array<i64: 128, 1024>}, {pipeline_mode = #tpu.pipeline_mode<synchronous>, transform_indices = @transform_3, window_bounds = array<i64: 1024, 2048>}, {pipeline_mode = #tpu.pipeline_mode<synchronous>, transform_indices = @transform_4, window_bounds = array<i64: 1024, 2048>}, {pipeline_mode = #tpu.pipeline_mode<synchronous>, transform_indices = @transform_5, window_bounds = array<i64: 2048, 1024>}, {transform_indices = @transform_6, window_bounds = array<i64: 128, 1024>}]} {
    %get3A = arith.constant 0 : index
    %get3A_0 = arith.constant 0 : index
    %get3A_1 = vector.load %arg3[%get3A, %get3A_0] : memref<128x1024xf32, #tpu.memory_space<vmem>>, vector<128x1024xf32>
    %get3A_2 = arith.constant 0 : index
    %get3A_3 = arith.constant 0 : index
    %get3A_4 = vector.load %arg4[%get3A_2, %get3A_3] : memref<1024x2048xf32, #tpu.memory_space<vmem>>, vector<1024x2048xf32>
    %dot_general3A = arith.constant dense<0.000000e+00> : vector<128x2048xf32>
    %dot_general3A_5 = tpu.matmul %get3A_1, %get3A_4, %dot_general3A {dimension_numbers = #tpu.dot_dimension_numbers<[1], [0], [0], [1], [0, 0, 1, 1], [], []>, transpose_lhs_hint = false} : vector<128x1024xf32>, vector<1024x2048xf32>, vector<128x2048xf32> -> vector<128x2048xf32>
    %get3A_6 = arith.constant 0 : index
    %get3A_7 = arith.constant 0 : index
    %get3A_8 = vector.load %arg5[%get3A_6, %get3A_7] : memref<1024x2048xf32, #tpu.memory_space<vmem>>, vector<1024x2048xf32>
    %dot_general3A_9 = arith.constant dense<0.000000e+00> : vector<128x2048xf32>
    %dot_general3A_10 = tpu.matmul %get3A_1, %get3A_8, %dot_general3A_9 {dimension_numbers = #tpu.dot_dimension_numbers<[1], [0], [0], [1], [0, 0, 1, 1], [], []>, transpose_lhs_hint = false} : vector<128x1024xf32>, vector<1024x2048xf32>, vector<128x2048xf32> -> vector<128x2048xf32>
    %logistic3A = arith.negf %dot_general3A_5 : vector<128x2048xf32>
    %logistic3A_11 = math.exp %logistic3A : vector<128x2048xf32>
    %logistic3A_12 = arith.constant 1.000000e+00 : f32
    %logistic3A_13 = vector.broadcast %logistic3A_12 : f32 to vector<128x2048xf32>
    %logistic3A_14 = arith.addf %logistic3A_13, %logistic3A_11 : vector<128x2048xf32>
    %logistic3A_15 = arith.divf %logistic3A_13, %logistic3A_14 : vector<128x2048xf32>
    %mul3A = arith.mulf %dot_general3A_5, %logistic3A_15 : vector<128x2048xf32>
    %mul3A_16 = arith.mulf %mul3A, %dot_general3A_10 : vector<128x2048xf32>
    %get3A_17 = arith.constant 0 : index
    %get3A_18 = arith.constant 0 : index
    %get3A_19 = vector.load %arg6[%get3A_17, %get3A_18] : memref<2048x1024xf32, #tpu.memory_space<vmem>>, vector<2048x1024xf32>
    %dot_general3A_20 = arith.constant dense<0.000000e+00> : vector<128x1024xf32>
    %dot_general3A_21 = tpu.matmul %mul3A_16, %get3A_19, %dot_general3A_20 {dimension_numbers = #tpu.dot_dimension_numbers<[1], [0], [0], [1], [0, 0, 1, 1], [], []>, transpose_lhs_hint = false} : vector<128x2048xf32>, vector<2048x1024xf32>, vector<128x1024xf32> -> vector<128x1024xf32>
    %get3A_22 = arith.constant 0 : index
    %get3A_23 = arith.constant 0 : index
    %get3A_24 = vector.load %arg1[%get3A_22, %get3A_23] : memref<128x1024xf32, #tpu.memory_space<vmem>>, vector<128x1024xf32>
    %get3A_25 = arith.constant 0 : index
    %get3A_26 = arith.constant 0 : index
    %get3A_27 = vector.load %arg2[%get3A_25, %get3A_26] : memref<128x1024xf32, #tpu.memory_space<vmem>>, vector<128x1024xf32>
    %add3A = arith.addf %get3A_24, %get3A_27 : vector<128x1024xf32>
    %add3A_28 = arith.addf %add3A, %dot_general3A_21 : vector<128x1024xf32>
    %swap3A = arith.constant 0 : index
    %swap3A_29 = arith.constant 0 : index
    %swap3A_30 = vector.load %arg7[%swap3A, %swap3A_29] : memref<128x1024xf32, #tpu.memory_space<vmem>>, vector<128x1024xf32>
    tpu.vector_store %arg7[%swap3A, %swap3A_29], %add3A_28 {strides = array<i32>} : memref<128x1024xf32, #tpu.memory_space<vmem>>, vector<128x1024xf32>,
    return
  }
  func.func @transform_0(%arg0: i32) -> (i32, i32) {
    %c0_i32 = arith.constant 0 : i32
    %c0_i32_0 = arith.constant 0 : i32
    return %arg0, %c0_i32 : i32, i32
  }
  func.func @transform_1(%arg0: i32) -> (i32, i32) {
    %c0_i32 = arith.constant 0 : i32
    %c0_i32_0 = arith.constant 0 : i32
    return %arg0, %c0_i32 : i32, i32
  }
  func.func @transform_2(%arg0: i32) -> (i32, i32) {
    %c0_i32 = arith.constant 0 : i32
    %c0_i32_0 = arith.constant 0 : i32
    return %arg0, %c0_i32 : i32, i32
  }
  func.func @transform_3(%arg0: i32) -> (i32, i32) {
    %c0_i32 = arith.constant 0 : i32
    %c0_i32_0 = arith.constant 0 : i32
    %c0_i32_1 = arith.constant 0 : i32
    return %c0_i32, %c0_i32_0 : i32, i32
  }
  func.func @transform_4(%arg0: i32) -> (i32, i32) {
    %c0_i32 = arith.constant 0 : i32
    %c0_i32_0 = arith.constant 0 : i32
    %c0_i32_1 = arith.constant 0 : i32
    return %c0_i32, %c0_i32_0 : i32, i32
  }
  func.func @transform_5(%arg0: i32) -> (i32, i32) {
    %c0_i32 = arith.constant 0 : i32
    %c0_i32_0 = arith.constant 0 : i32
    %c0_i32_1 = arith.constant 0 : i32
    return %c0_i32, %c0_i32_0 : i32, i32
  }
  func.func @transform_6(%arg0: i32) -> (i32, i32) {
    %c0_i32 = arith.constant 0 : i32
    %c0_i32_0 = arith.constant 0 : i32
    return %arg0, %c0_i32 : i32, i32
  }
}

module attributes {stable_mosaic.version = 14 : i64} {
  func.func @_expert_body(%arg0: i32, %arg1: i32, %arg2: memref<128xi32, #tpu.memory_space<smem>>, %arg3: memref<3072x1024xf32, #tpu.memory_space<vmem>>, %arg4: memref<1x1024x1024xf32, #tpu.memory_space<vmem>>, %arg5: memref<1x1024x1024xf32, #tpu.memory_space<vmem>>, %arg6: memref<1x1024x1024xf32, #tpu.memory_space<vmem>>, %arg7: memref<3072x1024xf32, #tpu.memory_space<vmem>>) attributes {dimension_semantics = [#tpu.dimension_semantics<arbitrary>, #tpu.dimension_semantics<arbitrary>], iteration_bounds = array<i64: 8, 2>, scalar_prefetch = 1 : i64, scratch_operands = 0 : i64, tpu.core_type = #tpu.core_type<tc>, window_params = [{pipeline_mode = #tpu.pipeline_mode<synchronous>, transform_indices = @transform_0, window_bounds = array<i64: 3072, 1024>}, {transform_indices = @transform_1, window_bounds = array<i64: 1, 1024, 1024>}, {transform_indices = @transform_2, window_bounds = array<i64: 1, 1024, 1024>}, {transform_indices = @transform_3, window_bounds = array<i64: 1, 1024, 1024>}, {pipeline_mode = #tpu.pipeline_mode<synchronous>, transform_indices = @transform_4, window_bounds = array<i64: 3072, 1024>}]} {
    %get3A = arith.index_cast %arg0 : i32 to index
    %get3A_0 = memref.load %arg2[%get3A] : memref<128xi32, #tpu.memory_space<smem>>
    %add3A = arith.constant 8 : i32
    %add3A_1 = arith.addi %add3A, %arg0 : i32
    %get3A_2 = arith.index_cast %add3A_1 : i32 to index
    %get3A_3 = memref.load %arg2[%get3A_2] : memref<128xi32, #tpu.memory_space<smem>>
    %while3A = arith.constant 0 : i32
    %while3A_4 = arith.constant 0 : i32
    %while3A_5 = arith.subi %get3A_3, %while3A_4 : i32
    %while3A_6 = arith.addi %while3A_4, %while3A_5 : i32
    %while3A_7 = arith.constant 1 : i32
    %while3A_8 = arith.divsi %while3A_5, %while3A_7 : i32
    %while3A_9 = arith.muli %while3A_8, %while3A_7 : i32
    %while3A_10 = arith.addi %while3A_4, %while3A_9 : i32
    %while3A_11 = arith.constant 1 : i32
    scf.for %while3A_13 = %while3A_4 to %while3A_10 step %while3A_11  : i32 {
      %mul3A = arith.constant 128 : i32
      %mul3A_14 = arith.muli %while3A_13, %mul3A : i32
      %add3A_15 = arith.addi %get3A_0, %mul3A_14 : i32
      %multiple_of3A = tpu.assume_multiple %add3A_15, 128 : i32
      %get3A_16 = arith.index_cast %multiple_of3A : i32 to index
      %get3A_17 = arith.constant 0 : index
      %get3A_18 = vector.load %arg3[%get3A_16, %get3A_17] : memref<3072x1024xf32, #tpu.memory_space<vmem>>, vector<128x1024xf32>
      %get3A_19 = arith.constant 0 : index
      %get3A_20 = arith.constant 0 : index
      %get3A_21 = arith.constant 0 : index
      %get3A_22 = vector.load %arg4[%get3A_19, %get3A_20, %get3A_21] : memref<1x1024x1024xf32, #tpu.memory_space<vmem>>, vector<1x1024x1024xf32>
      %get3A_23 = vector.shape_cast %get3A_22 : vector<1x1024x1024xf32> to vector<1024x1024xf32>
      %dot_general3A = arith.constant dense<0.000000e+00> : vector<128x1024xf32>
      %dot_general3A_24 = tpu.matmul %get3A_18, %get3A_23, %dot_general3A {dimension_numbers = #tpu.dot_dimension_numbers<[1], [0], [0], [1], [0, 0, 1, 1], [], []>, transpose_lhs_hint = false} : vector<128x1024xf32>, vector<1024x1024xf32>, vector<128x1024xf32> -> vector<128x1024xf32>
      %get3A_25 = arith.constant 0 : index
      %get3A_26 = arith.constant 0 : index
      %get3A_27 = arith.constant 0 : index
      %get3A_28 = vector.load %arg5[%get3A_25, %get3A_26, %get3A_27] : memref<1x1024x1024xf32, #tpu.memory_space<vmem>>, vector<1x1024x1024xf32>
      %get3A_29 = vector.shape_cast %get3A_28 : vector<1x1024x1024xf32> to vector<1024x1024xf32>
      %dot_general3A_30 = arith.constant dense<0.000000e+00> : vector<128x1024xf32>
      %dot_general3A_31 = tpu.matmul %get3A_18, %get3A_29, %dot_general3A_30 {dimension_numbers = #tpu.dot_dimension_numbers<[1], [0], [0], [1], [0, 0, 1, 1], [], []>, transpose_lhs_hint = false} : vector<128x1024xf32>, vector<1024x1024xf32>, vector<128x1024xf32> -> vector<128x1024xf32>
      %logistic3A = arith.negf %dot_general3A_24 : vector<128x1024xf32>
      %logistic3A_32 = math.exp %logistic3A : vector<128x1024xf32>
      %logistic3A_33 = arith.constant 1.000000e+00 : f32
      %logistic3A_34 = vector.broadcast %logistic3A_33 : f32 to vector<128x1024xf32>
      %logistic3A_35 = arith.addf %logistic3A_34, %logistic3A_32 : vector<128x1024xf32>
      %logistic3A_36 = arith.divf %logistic3A_34, %logistic3A_35 : vector<128x1024xf32>
      %mul3A_37 = arith.mulf %dot_general3A_24, %logistic3A_36 : vector<128x1024xf32>
      %mul3A_38 = arith.mulf %mul3A_37, %dot_general3A_31 : vector<128x1024xf32>
      %get3A_39 = arith.constant 0 : index
      %get3A_40 = arith.constant 0 : index
      %get3A_41 = arith.constant 0 : index
      %get3A_42 = vector.load %arg6[%get3A_39, %get3A_40, %get3A_41] : memref<1x1024x1024xf32, #tpu.memory_space<vmem>>, vector<1x1024x1024xf32>
      %get3A_43 = vector.shape_cast %get3A_42 : vector<1x1024x1024xf32> to vector<1024x1024xf32>
      %dot_general3A_44 = arith.constant dense<0.000000e+00> : vector<128x1024xf32>
      %dot_general3A_45 = tpu.matmul %mul3A_38, %get3A_43, %dot_general3A_44 {dimension_numbers = #tpu.dot_dimension_numbers<[1], [0], [0], [1], [0, 0, 1, 1], [], []>, transpose_lhs_hint = false} : vector<128x1024xf32>, vector<1024x1024xf32>, vector<128x1024xf32> -> vector<128x1024xf32>
      %eq3A = arith.constant 0 : i32
      %eq3A_46 = arith.cmpi eq, %arg1, %eq3A : i32
      %convert_element_type3A = arith.extui %eq3A_46 : i1 to i32
      %cond3A = arith.constant 0 : i32
      %cond3A_47 = arith.cmpi ne, %convert_element_type3A, %cond3A : i32
      scf.if %cond3A_47 {
        %swap3A = arith.index_cast %multiple_of3A : i32 to index
        %swap3A_52 = arith.constant 0 : index
        %swap3A_53 = vector.load %arg7[%swap3A, %swap3A_52] : memref<3072x1024xf32, #tpu.memory_space<vmem>>, vector<128x1024xf32>
        tpu.vector_store %arg7[%swap3A, %swap3A_52], %dot_general3A_45 {strides = array<i32>} : memref<3072x1024xf32, #tpu.memory_space<vmem>>, vector<128x1024xf32>,
      } else {
      }
      %ne3A = arith.constant 0 : i32
      %ne3A_48 = arith.cmpi ne, %arg1, %ne3A : i32
      %convert_element_type3A_49 = arith.extui %ne3A_48 : i1 to i32
      %cond3A_50 = arith.constant 0 : i32
      %cond3A_51 = arith.cmpi ne, %convert_element_type3A_49, %cond3A_50 : i32
      scf.if %cond3A_51 {
        %get3A_52 = arith.index_cast %multiple_of3A : i32 to index
        %get3A_53 = arith.constant 0 : index
        %get3A_54 = vector.load %arg7[%get3A_52, %get3A_53] : memref<3072x1024xf32, #tpu.memory_space<vmem>>, vector<128x1024xf32>
        %add3A_55 = arith.addf %get3A_54, %dot_general3A_45 : vector<128x1024xf32>
        %swap3A = arith.index_cast %multiple_of3A : i32 to index
        %swap3A_56 = arith.constant 0 : index
        %swap3A_57 = vector.load %arg7[%swap3A, %swap3A_56] : memref<3072x1024xf32, #tpu.memory_space<vmem>>, vector<128x1024xf32>
        tpu.vector_store %arg7[%swap3A, %swap3A_56], %add3A_55 {strides = array<i32>} : memref<3072x1024xf32, #tpu.memory_space<vmem>>, vector<128x1024xf32>,
      } else {
      }
    }
    %while3A_12 = arith.constant 1 : i32
    scf.for %while3A_13 = %while3A_10 to %while3A_6 step %while3A_12  : i32 {
      %mul3A = arith.constant 128 : i32
      %mul3A_14 = arith.muli %while3A_13, %mul3A : i32
      %add3A_15 = arith.addi %get3A_0, %mul3A_14 : i32
      %multiple_of3A = tpu.assume_multiple %add3A_15, 128 : i32
      %get3A_16 = arith.index_cast %multiple_of3A : i32 to index
      %get3A_17 = arith.constant 0 : index
      %get3A_18 = vector.load %arg3[%get3A_16, %get3A_17] : memref<3072x1024xf32, #tpu.memory_space<vmem>>, vector<128x1024xf32>
      %get3A_19 = arith.constant 0 : index
      %get3A_20 = arith.constant 0 : index
      %get3A_21 = arith.constant 0 : index
      %get3A_22 = vector.load %arg4[%get3A_19, %get3A_20, %get3A_21] : memref<1x1024x1024xf32, #tpu.memory_space<vmem>>, vector<1x1024x1024xf32>
      %get3A_23 = vector.shape_cast %get3A_22 : vector<1x1024x1024xf32> to vector<1024x1024xf32>
      %dot_general3A = arith.constant dense<0.000000e+00> : vector<128x1024xf32>
      %dot_general3A_24 = tpu.matmul %get3A_18, %get3A_23, %dot_general3A {dimension_numbers = #tpu.dot_dimension_numbers<[1], [0], [0], [1], [0, 0, 1, 1], [], []>, transpose_lhs_hint = false} : vector<128x1024xf32>, vector<1024x1024xf32>, vector<128x1024xf32> -> vector<128x1024xf32>
      %get3A_25 = arith.constant 0 : index
      %get3A_26 = arith.constant 0 : index
      %get3A_27 = arith.constant 0 : index
      %get3A_28 = vector.load %arg5[%get3A_25, %get3A_26, %get3A_27] : memref<1x1024x1024xf32, #tpu.memory_space<vmem>>, vector<1x1024x1024xf32>
      %get3A_29 = vector.shape_cast %get3A_28 : vector<1x1024x1024xf32> to vector<1024x1024xf32>
      %dot_general3A_30 = arith.constant dense<0.000000e+00> : vector<128x1024xf32>
      %dot_general3A_31 = tpu.matmul %get3A_18, %get3A_29, %dot_general3A_30 {dimension_numbers = #tpu.dot_dimension_numbers<[1], [0], [0], [1], [0, 0, 1, 1], [], []>, transpose_lhs_hint = false} : vector<128x1024xf32>, vector<1024x1024xf32>, vector<128x1024xf32> -> vector<128x1024xf32>
      %logistic3A = arith.negf %dot_general3A_24 : vector<128x1024xf32>
      %logistic3A_32 = math.exp %logistic3A : vector<128x1024xf32>
      %logistic3A_33 = arith.constant 1.000000e+00 : f32
      %logistic3A_34 = vector.broadcast %logistic3A_33 : f32 to vector<128x1024xf32>
      %logistic3A_35 = arith.addf %logistic3A_34, %logistic3A_32 : vector<128x1024xf32>
      %logistic3A_36 = arith.divf %logistic3A_34, %logistic3A_35 : vector<128x1024xf32>
      %mul3A_37 = arith.mulf %dot_general3A_24, %logistic3A_36 : vector<128x1024xf32>
      %mul3A_38 = arith.mulf %mul3A_37, %dot_general3A_31 : vector<128x1024xf32>
      %get3A_39 = arith.constant 0 : index
      %get3A_40 = arith.constant 0 : index
      %get3A_41 = arith.constant 0 : index
      %get3A_42 = vector.load %arg6[%get3A_39, %get3A_40, %get3A_41] : memref<1x1024x1024xf32, #tpu.memory_space<vmem>>, vector<1x1024x1024xf32>
      %get3A_43 = vector.shape_cast %get3A_42 : vector<1x1024x1024xf32> to vector<1024x1024xf32>
      %dot_general3A_44 = arith.constant dense<0.000000e+00> : vector<128x1024xf32>
      %dot_general3A_45 = tpu.matmul %mul3A_38, %get3A_43, %dot_general3A_44 {dimension_numbers = #tpu.dot_dimension_numbers<[1], [0], [0], [1], [0, 0, 1, 1], [], []>, transpose_lhs_hint = false} : vector<128x1024xf32>, vector<1024x1024xf32>, vector<128x1024xf32> -> vector<128x1024xf32>
      %eq3A = arith.constant 0 : i32
      %eq3A_46 = arith.cmpi eq, %arg1, %eq3A : i32
      %convert_element_type3A = arith.extui %eq3A_46 : i1 to i32
      %cond3A = arith.constant 0 : i32
      %cond3A_47 = arith.cmpi ne, %convert_element_type3A, %cond3A : i32
      scf.if %cond3A_47 {
        %swap3A = arith.index_cast %multiple_of3A : i32 to index
        %swap3A_52 = arith.constant 0 : index
        %swap3A_53 = vector.load %arg7[%swap3A, %swap3A_52] : memref<3072x1024xf32, #tpu.memory_space<vmem>>, vector<128x1024xf32>
        tpu.vector_store %arg7[%swap3A, %swap3A_52], %dot_general3A_45 {strides = array<i32>} : memref<3072x1024xf32, #tpu.memory_space<vmem>>, vector<128x1024xf32>,
      } else {
      }
      %ne3A = arith.constant 0 : i32
      %ne3A_48 = arith.cmpi ne, %arg1, %ne3A : i32
      %convert_element_type3A_49 = arith.extui %ne3A_48 : i1 to i32
      %cond3A_50 = arith.constant 0 : i32
      %cond3A_51 = arith.cmpi ne, %convert_element_type3A_49, %cond3A_50 : i32
      scf.if %cond3A_51 {
        %get3A_52 = arith.index_cast %multiple_of3A : i32 to index
        %get3A_53 = arith.constant 0 : index
        %get3A_54 = vector.load %arg7[%get3A_52, %get3A_53] : memref<3072x1024xf32, #tpu.memory_space<vmem>>, vector<128x1024xf32>
        %add3A_55 = arith.addf %get3A_54, %dot_general3A_45 : vector<128x1024xf32>
        %swap3A = arith.index_cast %multiple_of3A : i32 to index
        %swap3A_56 = arith.constant 0 : index
        %swap3A_57 = vector.load %arg7[%swap3A, %swap3A_56] : memref<3072x1024xf32, #tpu.memory_space<vmem>>, vector<128x1024xf32>
        tpu.vector_store %arg7[%swap3A, %swap3A_56], %add3A_55 {strides = array<i32>} : memref<3072x1024xf32, #tpu.memory_space<vmem>>, vector<128x1024xf32>,
      } else {
      }
    }
    return
  }
  func.func @transform_0(%arg0: i32, %arg1: i32, %arg2: memref<128xi32, #tpu.memory_space<smem>>) -> (i32, i32) {
    %c0_i32 = arith.constant 0 : i32
    %c0_i32_0 = arith.constant 0 : i32
    %c0_i32_1 = arith.constant 0 : i32
    return %c0_i32, %c0_i32_0 : i32, i32
  }
  func.func @transform_1(%arg0: i32, %arg1: i32, %arg2: memref<128xi32, #tpu.memory_space<smem>>) -> (i32, i32, i32) {
    %c0_i32 = arith.constant 0 : i32
    %c0_i32_0 = arith.constant 0 : i32
    return %arg0, %c0_i32, %arg1 : i32, i32, i32
  }
  func.func @transform_2(%arg0: i32, %arg1: i32, %arg2: memref<128xi32, #tpu.memory_space<smem>>) -> (i32, i32, i32) {
    %add3A = arith.constant 2 : i32
    %add3A_0 = arith.addi %arg1, %add3A : i32
    %c0_i32 = arith.constant 0 : i32
    %c0_i32_1 = arith.constant 0 : i32
    return %arg0, %c0_i32, %add3A_0 : i32, i32, i32
  }
  func.func @transform_3(%arg0: i32, %arg1: i32, %arg2: memref<128xi32, #tpu.memory_space<smem>>) -> (i32, i32, i32) {
    %c0_i32 = arith.constant 0 : i32
    %c0_i32_0 = arith.constant 0 : i32
    return %arg0, %arg1, %c0_i32 : i32, i32, i32
  }
  func.func @transform_4(%arg0: i32, %arg1: i32, %arg2: memref<128xi32, #tpu.memory_space<smem>>) -> (i32, i32) {
    %c0_i32 = arith.constant 0 : i32
    %c0_i32_0 = arith.constant 0 : i32
    %c0_i32_1 = arith.constant 0 : i32
    return %c0_i32, %c0_i32_0 : i32, i32
  }
}

</mosaic_0001>

<sc_bundles>
// kernel: kernel.10.cloned.1.call-start
scs
__scs_entry_jumppad:
0x0: {  	(pc) =	sbr.rel $0x88, $3  }
0x1: {  	(tag) =	ssettag $0x0;
	lr =	simm.s32 $0x1  }
0x2: {  	[smem:$0x3F98] =	sst lr;
	_ =	strace $0xD0000000  }
0x3: {  	_ = 	snop  }
0x4: {  	_ = 	snop  }
0x5: {  	_ = 	snop  }
0x6: {  	_ = 	snop  }
0x7: {  	_ = 	snop  }
__scs_overlays_trampoline_lowered:
0x8: {  	[smem:$0x3FA7] =	sst s0  }
0x9: {  	[smem:$0x3FA8] =	sst s1  }
0xa: {  	[smem:$0x3FA9] =	sst s2  }
0xb: {  	[smem:$0x3FAA] =	sst s3  }
0xc: {  	[smem:$0x3FAB] =	sst s4  }
0xd: {  	[smem:$0x3FAC] =	sst s5  }
0xe: {  	[smem:$0x3FAD] =	sst s6  }
0xf: {  	[smem:$0x3FAE] =	sst s7  }
0x10: {  	[smem:$0x3FAF] =	sst s8  }
0x11: {  	[smem:$0x3FB0] =	sst s9;
	s0 =	simm.s32 @!p0 $0x0  }
0x12: {  	s1 =	sld [smem:$0x3F96];
	s0 =	simm.s32 @p0 $0x1  }
0x13: {  	[smem:$0x3FB1] =	sst s0;
	s0 =	simm.s32 @!p1 $0x0  }
0x14: {  	s2 =	sld [smem:$0x3F95];
	s0 =	simm.s32 @p1 $0x1  }
0x15: {  	[smem:$0x3FB2] =	sst s0;
	s0 =	simm.s32 @!p2 $0x0  }
0x16: {  	s3 =	sld [smem:$0x3FDB];
	s0 =	simm.s32 @p2 $0x1  }
0x17: {  	s4 =	simm.s32 $0x1BF5;
	[smem:$0x3FB4] =	sst s0  }
0x18: {  	s0 =	sld [smem:$0x3F97];
	_ =	swait.ge [sflag:s4], $0x0  }
0x19: {  	s7 =	sld [smem:$0x3F98]  }
0x1a: {  	s8 =	sadd.s32 $0xFFFFE003, lr  }
0x1b: {  	s9 =	sadd.s32 $0xFFFFFEF7, lr;
	s5 =	simm.s32 $0xFFFFFFFF;
	p2 =	slt.u32 s8, $0xFFFFF086  }
0x1c: {  	p1 =	slt.u32 s9, $0xF7A;
	s5 =	simm.s32 @!p2 $0x0  }
0x1d: {  	s5 =	simm.s32 @p1 $0x1;
	p0 =	seq.s32 s7, s2  }
0x1e: {  	s7 =	smul.u32 @!p0 $0xF7A, s2;
	p2 =	seq.s32 @!p0 s5, $0x0  }
0x1f: {  	s9 =	smul.u32 $0xF7A, s1;
	s8 =	simm.s32 @!p0 $0x1BF5;
	p2 =	por !p2, p0  }
0x20: {  	[sflag:s8] =	ssyncset.s32 @!p0 $0xFFFFF086;
	s6 =	sadd.s32 @!p0 s3, s7;
	s7 =	simm.s32 @!p0 $0x108  }
0x21: {  	s3 =	sadd.s32 s3, s9;
	s6 =	sadd.s32 @!p0 $0x88, s6;
	s7 =	simm.s32 @p2 $0x1082  }
0x22: {  	[simem:s7], [sflag:s8] =	dma.local @!p0 [hbm:s6], $0xF7A  }
0x23: {  	s9 =	sor.u32 $0xD0000000, s2;
	s6 =	simm.s32 $0x108;
	_ =	swait.ge @!p0 [sflag:s8], $0x0  }
0x24: {  	s3 =	sadd.s32 $0x88, s3;
	s6 =	simm.s32 @!p1 $0x1082;
	[sflag:s4] =	ssyncset.s32 $0xFFFFF086  }
0x25: {  	[simem:s6], [sflag:s4] =	dma.local [hbm:s3], $0xF7A  }
0x26: {  	[smem:$0x3F98] =	sst s1;
	(tag) =	ssettag s2;
	_ =	strace s9  }
0x27: {  	s1 =	sld [smem:$0x3FA8]  }
0x28: {  	s2 =	sld [smem:$0x3FA9]  }
0x29: {  	s4 =	sld [smem:$0x3FAB]  }
0x2a: {  	p0 =	seq.s32 s5, $0x0;
	s5 =	sld [smem:$0x3FAC]  }
0x2b: {  	s6 =	sld [smem:$0x3FAD]  }
0x2c: {  	s7 =	sld [smem:$0x3FAE]  }
0x2d: {  	s3 =	simm.s32 $0x108;
	s8 =	sld [smem:$0x3FAF]  }
0x2e: {  	s3 =	simm.s32 @!p0 $0x1082;
	s9 =	sld [smem:$0x3FB0]  }
0x2f: {  	lr =	sadd.s32 s0, s3;
	s0 =	sld [smem:$0x3FA7]  }
0x30: {  	s3 =	sld [smem:$0x3FAA]  }
0x31: {  	[smem:$0x3FB3] =	sst s10  }
0x32: {  	s10 =	sld [smem:$0x3FB1];
	_ =	sdelay $0x3  }
0x33: {  	p0 =	seq.s32 s10, $0x1;
	s10 =	sld [smem:$0x3FB3];
	_ =	sdelay $0x3  }
0x34: {  	[smem:$0x3FB3] =	sst s10  }
0x35: {  	s10 =	sld [smem:$0x3FB2];
	_ =	sdelay $0x3  }
0x36: {  	p1 =	seq.s32 s10, $0x1;
	s10 =	sld [smem:$0x3FB3];
	_ =	sdelay $0x3  }
0x37: {  	[smem:$0x3FB3] =	sst s10  }
0x38: {  	s10 =	sld [smem:$0x3FB4]  }
0x39: {  	_ = 	snop;
	(pc) =	sbr.ind lr, $3  }
0x3a: {  	_ = 	snop  }
0x3b: {  	_ = 	snop  }
0x3c: {  	p2 =	seq.s32 s10, $0x1;
	s10 =	sld [smem:$0x3FB3]  }
0x3d: {  	_ =	shalt  }
0x3e: {  	_ =	shalt  }
0x3f: {  	_ =	shalt  }
0x40: {  	_ =	shalt  }
0x41: {  	_ =	shalt  }
0x42: {  	_ =	shalt  }
0x43: {  	_ =	shalt  }
0x44: {  	_ =	shalt  }
0x45: {  	_ =	shalt  }
0x46: {  	_ =	shalt  }
0x47: {  	_ =	shalt  }
0x48: {  	_ =	shalt  }
0x49: {  	_ =	shalt  }
0x4a: {  	_ =	shalt  }
0x4b: {  	_ =	shalt  }
0x4c: {  	_ =	shalt  }
0x4d: {  	_ =	shalt  }
0x4e: {  	_ =	shalt  }
0x4f: {  	_ =	shalt  }
0x50: {  	_ =	shalt  }
0x51: {  	_ =	shalt  }
0x52: {  	_ =	shalt  }
0x53: {  	_ =	shalt  }
0x54: {  	_ =	shalt  }
0x55: {  	_ =	shalt  }
0x56: {  	_ =	shalt  }
0x57: {  	_ =	shalt  }
0x58: {  	_ =	shalt  }
0x59: {  	_ =	shalt  }
0x5a: {  	_ =	shalt  }
0x5b: {  	_ =	shalt  }
0x5c: {  	_ =	shalt  }
0x5d: {  	_ =	shalt  }
0x5e: {  	_ =	shalt  }
0x5f: {  	_ =	shalt  }
0x60: {  	_ =	shalt  }
0x61: {  	_ =	shalt  }
0x62: {  	_ =	shalt  }
0x63: {  	_ =	shalt  }
0x64: {  	_ =	shalt  }
0x65: {  	_ =	shalt  }
0x66: {  	_ =	shalt  }
0x67: {  	_ =	shalt  }
0x68: {  	_ =	shalt  }
0x69: {  	_ =	shalt  }
0x6a: {  	_ =	shalt  }
0x6b: {  	_ =	shalt  }
0x6c: {  	_ =	shalt  }
0x6d: {  	_ =	shalt  }
0x6e: {  	_ =	shalt  }
0x6f: {  	_ =	shalt  }
0x70: {  	_ =	shalt  }
0x71: {  	_ =	shalt  }
0x72: {  	_ =	shalt  }
0x73: {  	_ =	shalt  }
0x74: {  	_ =	shalt  }
0x75: {  	_ =	shalt  }
0x76: {  	_ =	shalt  }
0x77: {  	_ =	shalt  }
0x78: {  	_ =	shalt  }
0x79: {  	_ =	shalt  }
0x7a: {  	_ =	shalt  }
0x7b: {  	_ =	shalt  }
0x7c: {  	_ =	shalt  }
0x7d: {  	_ =	shalt  }
0x7e: {  	_ =	shalt  }
0x7f: {  	_ =	shalt  }
0x80: {  	_ =	shalt  }
0x81: {  	_ =	shalt  }
0x82: {  	_ =	shalt  }
0x83: {  	_ =	shalt  }
0x84: {  	_ =	shalt  }
0x85: {  	_ =	shalt  }
0x86: {  	_ =	shalt  }
0x87: {  	_ =	shalt  }
.Lfunc_end0:
.L_simem_size_0:
called_computation.1_lowered:
.L_overlay_start_0:
0x88: {  	s2 =	sld [smem:$0x3FD9]  }
0x89: {  	s3 =	sld [smem:$0x3FFE];
	_ =	sdelay $0x1  }
0x8a: {  	s1 =	srdreg.scid  }
0x8b: {  	s0 =	sand.u32 $0x1, s1  }
0x8c: {  	s16 =	sshll.u32 s0, $0xA;
	s2 =	sadd.s32 s3, s2  }
0x8d: {  	s2 =	sadd.s32 s2, s16  }
0x8e: {  	[smem:$0x3FBF] =	sst s2  }
0x8f: {  	_ = 	snop  }
0x90: {  	(tm) =	ssettm $0x1  }
0x91: {  	s17 =	sld [smem:$0x3FFB];
	_ =	sdelay $0x3  }
0x92: {  	_ =	strace s17  }
0x93: {  	s2 =	sld [smem:$0x3FFC];
	_ =	sdelay $0x3  }
0x94: {  	_ =	strace s2  }
0x95: {  	s2 =	sld [smem:$0x3FFD];
	_ =	sdelay $0x3  }
0x96: {  	_ =	strace s2  }
0x97: {  	_ =	strace $0x8FFFFFFF  }
0x98: {  	s18 =	sld [smem:$0x3FDB];
	_ =	sdelay $0x1  }
0x99: {  	s19 =	simm.s32 $_scs_section_size  }
0x9a: {  	s4 =	simm.s32 $_size__tile_overlayer_lowered;
	s5 =	simm.s32 $_tile_overlayer_lowered  }
0x9b: {  	s22 =	simm.s32 $0x1BFF;
	s21 =	sshll.u32 s5, $0x1;
	s2 =	sadd.s32 s19, s18  }
0x9c: {  	s6 =	simm.s32 $0x0;
	s20 =	sshll.u32 s4, $0x1;
	s4 =	sadd.s32 s21, s2  }
0x9d: {  	[timem:s6], [sflag:s22] =	dma.local [hbm:s4], s20  }
0x9e: {  	_ =	swait.ge [sflag:s22], s20  }
0x9f: {  	s3 =	ssub.s32 $0x0, s20;
	[sflag:s22] =	ssyncset.done $0x0  }
0xa0: {  	[sflag:s22] =	ssyncadd.s32 s3;
	_ =	sdelay $0x1  }
0xa1: {  	s23 =	simm.s32 $0x1B8B  }
0xa2: {  	_ =	swait.ge [sflag:s23], $0x1  }
0xa3: {  	[sflag:s23] =	ssyncset.done $0x0  }
0xa4: {  	s25 =	simm.s32 $0x1B8E;
	s24 =	sld [smem:$0x3FFE];
	[sflag:s23] =	ssyncadd.s32 $0xFFFFFFFF  }
0xa5: {  	s26 =	simm.s32 $execute0_lowered;
	[smem:$0x3FD2] =	sst s25  }
0xa6: {  	s4 =	sshll.u32 s26, $0x1;
	_ =	strace $0x80000049;
	[dreg:$0x1] =	wrdreg $0xFFFFFFFF  }
0xa7: {  	s28 =	simm.s32 $_size_execute0_lowered;
	s2 =	sadd.s32 s2, s4;
	[dreg:$0x0] =	wrdreg $0x0  }
0xa8: {  	s4 =	sshll.u32 s28, $0x1;
	[dreg:$0x2] =	wrdreg s2  }
0xa9: {  	[dreg:$0x3] =	wrdreg s4  }
0xaa: {  	[dreg:$0x4] =	wrdreg $0xC0  }
0xab: {  	_ =	task [dreg:s6], $0x5FFFF  }
0xac: {  	[dreg:$0x1] =	wrdreg $0xFFFFFFFF  }
0xad: {  	[dreg:$0x0] =	wrdreg $0x60  }
0xae: {  	[dreg:$0x2] =	wrdreg s24  }
0xaf: {  	[dreg:$0x3] =	wrdreg $0x9  }
0xb0: {  	_ =	task.clear_ibuf [dreg:s6], $0x4FFFF;
	_ =	strace $0x90000049  }
0xb1: {  	s29 =	simm.s32 $0x9;
	_ =	strace $0x8000004B  }
0xb2: {  	_ =	swait.ge [sflag:s29], $0x1  }
0xb3: {  	[sflag:s29] =	ssyncadd.s32 $0xFFFFFFFF  }
0xb4: {  	_ =	strace $0x9000004B  }
0xb5: {  	_ =	sfence  }
0xb6: {  	s30 =	sld [smem:$0x0];
	_ =	sdelay $0x2  }
0xb7: {  	s31 =	sshll.u32 s1, $0xD;
	s1 =	sshrl.u32 s1, $0x2  }
0xb8: {  	s3 =	sand.u32 $0x4000, s31;
	s1 =	sadd.s32 s1, s30  }
0xb9: {  	s0 =	sor.u32 s3, s0;
	s1 =	sshll.u32 s1, $0x11  }
0xba: {  	s0 =	sor.u32 s1, s0  }
0xbb: {  	s0 =	sadd.s32 $0x8F2B, s0  }
0xbc: {  	[sflag:s0] =	ssyncadd.remote.s32 $0x1  }
0xbd: {  	_ =	sfence.sel $0xFFFF  }
0xbe: {  	[dreg:$0x0] =	wrdreg $0xFFFFFFFF;
	(pc) =	sbr.abs _section_cstart, $3  }
0xbf: {  	[dreg:$0x1] =	wrdreg $0xFFFFFFFF  }
0xc0: {  	_ =	task.clear_ibuf [dreg:s6], $0x2FFFF;
	_ =	strace $0x9FFFFFFF  }
0xc1: {  	(tm) =	ssettm $0x7FFFFFFF  }
tec
execute0_lowered:
.L_overlay_start_1:
0x0: {  	(tag) =	ssettag $0x1  }
0x1: {  	s1 =	srdreg.scid  }
0x2: {  	s0 =	stileid.u32;
	s6 =	rddreg [dreg:$0x0]  }
0x3: {  	s19 =	simm.s32 $0x880;
	s20 =	simm.s32 $0x1080;
	s21 =	simm.s32 $0x1880  }
0x4: {  	s22 =	simm.s32 $0x2080;
	s23 =	simm.s32 $0x2880;
	s7 =	simm.s32 $0x3080  }
0x5: {  	s24 =	simm.s32 $0x3880;
	s8 =	simm.s32 $0x4080;
	s25 =	simm.s32 $0x4880  }
0x6: {  	s26 =	simm.s32 $0x5080;
	s9 =	simm.s32 $0x80;
	s1 =	sand.u32 $0x1, s1  }
0x7: {  	s11 =	simm.s32 $0x6080;
	s2 =	sshll.u32 s0, $0x7;
	s3 =	sshll.u32 s1, $0x6  }
0x8: {  	s12 =	simm.s32 $0x6880;
	s3 =	sor.u32 s3, s2;
	s2 =	simm.s32 $0x0  }
0x9: {  	s13 =	simm.s32 $0x7080;
	s14 =	simm.s32 $0x7880;
	[smem:$0x7FF] =	sst s2  }
0xa: {  	s15 =	simm.s32 $0x8080;
	_ =	strace $0x8000004A;
	[dreg:$0x4] =	wrdreg s19  }
0xb: {  	s16 =	simm.s32 $0x8880;
	s17 =	simm.s32 $0x9080;
	[dreg:$0x5] =	wrdreg s20  }
0xc: {  	s18 =	simm.s32 $0x9880;
	s28 =	simm.s32 $0xE080;
	[dreg:$0x6] =	wrdreg s21  }
0xd: {  	s29 =	simm.s32 $0xE880;
	s30 =	simm.s32 $0xF080;
	[dreg:$0x7] =	wrdreg s22  }
0xe: {  	s31 =	simm.s32 $0xF880;
	s1 =	ssub.s32 $0x2, s1;
	[dreg:$0x8] =	wrdreg s23  }
0xf: {  	s5 =	sshrl.u32 s1, $0x1;
	s4 =	sshrl.u32 s3, $0x3;
	[dreg:$0x9] =	wrdreg s7  }
0x10: {  	s3 =	sshll.u32 s3, $0x7;
	s1 =	ssub.s32 s1, s5;
	[dreg:$0xa] =	wrdreg s24  }
0x11: {  	s5 =	sadd.s32 $0xA1800, s6;
	s4 =	sadd.s32 s4, s6;
	[dreg:$0xb] =	wrdreg s8  }
0x12: {  	s3 =	sadd.s32 s3, s6;
	s7 =	smax.u32 s1, $0x1;
	[dreg:$0xc] =	wrdreg s25  }
0x13: {  	s8 =	simm.s32 $0x2;
	[dreg:$0xd] =	wrdreg s26;
	s19 =	simm.s32 $0xA080  }
0x14: {  	s20 =	simm.s32 $0xA880;
	s21 =	simm.s32 $0xB080;
	s22 =	simm.s32 $0xB880  }
0x15: {  	s23 =	simm.s32 $0xC080;
	s24 =	simm.s32 $0xC880;
	s4 =	sadd.s32 $0x1200, s4  }
0x16: {  	v2 =	vlaneseq.u32;
	s25 =	simm.s32 $0xD080;
	s3 =	sadd.s32 $0x41400, s3;
	[dreg:$0x2] =	wrdreg s4  }
0x17: {  	vm0 =	vmmov $0xffff;
	v1 =	vshrl.u32 v2, $0x3;
	s26 =	simm.s32 $0xD880;
	s1 =	simm.s32 $0x1;
	[dreg:$0x3] =	wrdreg s3  }
0x18: {  	v0 =	vand.u32 $0x7, v2;
	v2 =	vor.u32 $0x8, v2;
	v1 =	vmul.u32 $0x8, v1;
	s3 =	sadd.s32 $0xA1600, s6;
	s4 =	sadd.s32 $0xA1700, s6;
	s6 =	sadd.s32 $0xA1900, s6  }
.LBB2_1:
0x19: {  	s0 =	rddreg [dreg:$0x2]  }
0x1a: {  	[tilespmem:s2], [sflag:$0x2] =	stream.linear.gather [hbm4b:s0+s2], $0x40, $0x38;
	[tilespmem:$0x10080] =	vst v63  }
0x1b: {  	_ =	swait.ge [sflag:s8], $0x40  }
0x1c: {  	[sflag:s8] =	ssyncset.done $0x0  }
0x1d: {  	[sflag:s8] =	ssyncadd.s32 $0xFFFFFFC0  }
0x1e: {  	v3 =	vld [tilespmem:$0x0];
	_ =	sdelay $0x4  }
0x1f: {  	v4 =	vshll.u32 v3, $0x3  }
0x20: {  	v3 =	vand.u32 $0x7, v3;
	v4 =	vand.u32 $0xFFFFFFC0, v4  }
0x21: {  	v3 =	vor.u32 v3, v4  }
0x22: {  	v4 =	vperm.xlane v3, v0;
	_ =	sdelay $0x1  }
0x23: {  	v4 =	vadd.s32 v1, v4;
	_ =	sdelay $0x4  }
0x24: {  	[tilespmem:s9], [sflag:$0x1] =	stream.indirect_vreg.gather [hbm4b:s3+s2], $0x80, v4, vm0, $0xb8;
	[tilespmem:$0x10080] =	vst v63  }
0x25: {  	s0 =	rddreg [dreg:$0x4];
	v3 =	vperm.xlane v3, v2  }
0x26: {  	[tilespmem:s0], [sflag:$0x1] =	stream.indirect_vreg.gather [hbm4b:s4+s2], $0x80, v4, vm0, $0xb8;
	[tilespmem:$0x10080] =	vst v63  }
0x27: {  	s10 =	rddreg [dreg:$0x5];
	v3 =	vadd.s32 v1, v3  }
0x28: {  	[tilespmem:s10], [sflag:$0x1] =	stream.indirect_vreg.gather [hbm4b:s5+s2], $0x80, v4, vm0, $0xb8;
	[tilespmem:$0x10080] =	vst v63  }
0x29: {  	s0 =	rddreg [dreg:$0x6]  }
0x2a: {  	[tilespmem:s0], [sflag:$0x1] =	stream.indirect_vreg.gather [hbm4b:s6+s2], $0x80, v4, vm0, $0xb8;
	[tilespmem:$0x10080] =	vst v63  }
0x2b: {  	s10 =	rddreg [dreg:$0x7]  }
0x2c: {  	[tilespmem:s10], [sflag:$0x1] =	stream.indirect_vreg.gather [hbm4b:s3+s2], $0x80, v3, vm0, $0xb8;
	[tilespmem:$0x10080] =	vst v63  }
0x2d: {  	s0 =	rddreg [dreg:$0x8]  }
0x2e: {  	[tilespmem:s0], [sflag:$0x1] =	stream.indirect_vreg.gather [hbm4b:s4+s2], $0x80, v3, vm0, $0xb8;
	[tilespmem:$0x10080] =	vst v63  }
0x2f: {  	s10 =	rddreg [dreg:$0x9]  }
0x30: {  	[tilespmem:s10], [sflag:$0x1] =	stream.indirect_vreg.gather [hbm4b:s5+s2], $0x80, v3, vm0, $0xb8;
	[tilespmem:$0x10080] =	vst v63  }
0x31: {  	s0 =	rddreg [dreg:$0xa]  }
0x32: {  	[tilespmem:s0], [sflag:$0x1] =	stream.indirect_vreg.gather [hbm4b:s6+s2], $0x80, v3, vm0, $0xb8;
	[tilespmem:$0x10080] =	vst v63  }
0x33: {  	v3 =	vld [tilespmem:$0x10];
	_ =	sdelay $0x4  }
0x34: {  	v61 =	vshll.u32 v3, $0x3  }
0x35: {  	v3 =	vand.u32 $0x7, v3;
	v4 =	vand.u32 $0xFFFFFFC0, v61  }
0x36: {  	v3 =	vor.u32 v3, v4  }
0x37: {  	v4 =	vperm.xlane v3, v0;
	_ =	sdelay $0x1  }
0x38: {  	v4 =	vadd.s32 v1, v4;
	_ =	sdelay $0x3  }
0x39: {  	s0 =	rddreg [dreg:$0xb]  }
0x3a: {  	[tilespmem:s0], [sflag:$0x1] =	stream.indirect_vreg.gather [hbm4b:s3+s2], $0x80, v4, vm0, $0xb8;
	[tilespmem:$0x10080] =	vst v63  }
0x3b: {  	s10 =	rddreg [dreg:$0xc];
	v3 =	vperm.xlane v3, v2  }
0x3c: {  	[tilespmem:s10], [sflag:$0x1] =	stream.indirect_vreg.gather [hbm4b:s4+s2], $0x80, v4, vm0, $0xb8;
	[tilespmem:$0x10080] =	vst v63  }
0x3d: {  	v3 =	vadd.s32 v1, v3;
	s0 =	rddreg [dreg:$0xd]  }
0x3e: {  	[tilespmem:s0], [sflag:$0x1] =	stream.indirect_vreg.gather [hbm4b:s5+s2], $0x80, v4, vm0, $0xb8;
	[tilespmem:$0x10080] =	vst v63  }
0x3f: {  	s10 =	simm.s32 $0x5880  }
0x40: {  	[tilespmem:s10], [sflag:$0x1] =	stream.indirect_vreg.gather [hbm4b:s6+s2], $0x80, v4, vm0, $0xb8;
	[tilespmem:$0x10080] =	vst v63  }
0x41: {  	_ = 	snop  }
0x42: {  	[tilespmem:s11], [sflag:$0x1] =	stream.indirect_vreg.gather [hbm4b:s3+s2], $0x80, v3, vm0, $0xb8;
	[tilespmem:$0x10080] =	vst v63  }
0x43: {  	_ = 	snop  }
0x44: {  	[tilespmem:s12], [sflag:$0x1] =	stream.indirect_vreg.gather [hbm4b:s4+s2], $0x80, v3, vm0, $0xb8;
	[tilespmem:$0x10080] =	vst v63  }
0x45: {  	_ = 	snop  }
0x46: {  	[tilespmem:s13], [sflag:$0x1] =	stream.indirect_vreg.gather [hbm4b:s5+s2], $0x80, v3, vm0, $0xb8;
	[tilespmem:$0x10080] =	vst v63  }
0x47: {  	_ = 	snop  }
0x48: {  	[tilespmem:s14], [sflag:$0x1] =	stream.indirect_vreg.gather [hbm4b:s6+s2], $0x80, v3, vm0, $0xb8;
	[tilespmem:$0x10080] =	vst v63  }
0x49: {  	v3 =	vld [tilespmem:$0x20];
	_ =	sdelay $0x4  }
0x4a: {  	v62 =	vshll.u32 v3, $0x3  }
0x4b: {  	v3 =	vand.u32 $0x7, v3;
	v4 =	vand.u32 $0xFFFFFFC0, v62  }
0x4c: {  	v3 =	vor.u32 v3, v4  }
0x4d: {  	v4 =	vperm.xlane v3, v0;
	_ =	sdelay $0x1  }
0x4e: {  	v4 =	vadd.s32 v1, v4;
	_ =	sdelay $0x4  }
0x4f: {  	[tilespmem:s15], [sflag:$0x1] =	stream.indirect_vreg.gather [hbm4b:s3+s2], $0x80, v4, vm0, $0xb8;
	[tilespmem:$0x10080] =	vst v63  }
0x50: {  	v3 =	vperm.xlane v3, v2  }
0x51: {  	[tilespmem:s16], [sflag:$0x1] =	stream.indirect_vreg.gather [hbm4b:s4+s2], $0x80, v4, vm0, $0xb8;
	[tilespmem:$0x10080] =	vst v63  }
0x52: {  	v3 =	vadd.s32 v1, v3  }
0x53: {  	[tilespmem:s17], [sflag:$0x1] =	stream.indirect_vreg.gather [hbm4b:s5+s2], $0x80, v4, vm0, $0xb8;
	[tilespmem:$0x10080] =	vst v63  }
0x54: {  	_ = 	snop  }
0x55: {  	[tilespmem:s18], [sflag:$0x1] =	stream.indirect_vreg.gather [hbm4b:s6+s2], $0x80, v4, vm0, $0xb8;
	[tilespmem:$0x10080] =	vst v63  }
0x56: {  	_ = 	snop  }
0x57: {  	[tilespmem:s19], [sflag:$0x1] =	stream.indirect_vreg.gather [hbm4b:s3+s2], $0x80, v3, vm0, $0xb8;
	[tilespmem:$0x10080] =	vst v63  }
0x58: {  	_ = 	snop  }
0x59: {  	[tilespmem:s20], [sflag:$0x1] =	stream.indirect_vreg.gather [hbm4b:s4+s2], $0x80, v3, vm0, $0xb8;
	[tilespmem:$0x10080] =	vst v63  }
0x5a: {  	_ = 	snop  }
0x5b: {  	[tilespmem:s21], [sflag:$0x1] =	stream.indirect_vreg.gather [hbm4b:s5+s2], $0x80, v3, vm0, $0xb8;
	[tilespmem:$0x10080] =	vst v63  }
0x5c: {  	_ = 	snop  }
0x5d: {  	[tilespmem:s22], [sflag:$0x1] =	stream.indirect_vreg.gather [hbm4b:s6+s2], $0x80, v3, vm0, $0xb8;
	[tilespmem:$0x10080] =	vst v63  }
0x5e: {  	v3 =	vld [tilespmem:$0x30];
	_ =	sdelay $0x4  }
0x5f: {  	v63 =	vshll.u32 v3, $0x3  }
0x60: {  	v3 =	vand.u32 $0x7, v3;
	v4 =	vand.u32 $0xFFFFFFC0, v63  }
0x61: {  	v3 =	vor.u32 v3, v4  }
0x62: {  	v4 =	vperm.xlane v3, v0;
	_ =	sdelay $0x1  }
0x63: {  	v4 =	vadd.s32 v1, v4;
	_ =	sdelay $0x4  }
0x64: {  	[tilespmem:s23], [sflag:$0x1] =	stream.indirect_vreg.gather [hbm4b:s3+s2], $0x80, v4, vm0, $0xb8;
	[tilespmem:$0x10080] =	vst v63  }
0x65: {  	v3 =	vperm.xlane v3, v2  }
0x66: {  	[tilespmem:s24], [sflag:$0x1] =	stream.indirect_vreg.gather [hbm4b:s4+s2], $0x80, v4, vm0, $0xb8;
	[tilespmem:$0x10080] =	vst v63  }
0x67: {  	v3 =	vadd.s32 v1, v3  }
0x68: {  	[tilespmem:s25], [sflag:$0x1] =	stream.indirect_vreg.gather [hbm4b:s5+s2], $0x80, v4, vm0, $0xb8;
	[tilespmem:$0x10080] =	vst v63  }
0x69: {  	_ = 	snop  }
0x6a: {  	[tilespmem:s26], [sflag:$0x1] =	stream.indirect_vreg.gather [hbm4b:s6+s2], $0x80, v4, vm0, $0xb8;
	[tilespmem:$0x10080] =	vst v63  }
0x6b: {  	_ = 	snop  }
0x6c: {  	[tilespmem:s28], [sflag:$0x1] =	stream.indirect_vreg.gather [hbm4b:s3+s2], $0x80, v3, vm0, $0xb8;
	[tilespmem:$0x10080] =	vst v63  }
0x6d: {  	_ = 	snop  }
0x6e: {  	[tilespmem:s29], [sflag:$0x1] =	stream.indirect_vreg.gather [hbm4b:s4+s2], $0x80, v3, vm0, $0xb8;
	[tilespmem:$0x10080] =	vst v63  }
0x6f: {  	_ = 	snop  }
0x70: {  	[tilespmem:s30], [sflag:$0x1] =	stream.indirect_vreg.gather [hbm4b:s5+s2], $0x80, v3, vm0, $0xb8;
	[tilespmem:$0x10080] =	vst v63  }
0x71: {  	_ = 	snop  }
0x72: {  	[tilespmem:s31], [sflag:$0x1] =	stream.indirect_vreg.gather [hbm4b:s6+s2], $0x80, v3, vm0, $0xb8;
	[tilespmem:$0x10080] =	vst v63  }
0x73: {  	_ =	swait.ge [sflag:s1], $0x10000  }
0x74: {  	p0 =	sne.s32 s7, $0x1;
	[sflag:s1] =	ssyncset.done $0x0  }
.Ltmp0:
0x75: {  	s10 =	rddreg [dreg:$0x3];
	[sflag:s1] =	ssyncadd.s32 $0xFFFF0000;
	(pc) =	sbr.rel @p0 .LBB2_1-.Ltmp0, $4  }
0x76: {  	[hbm4b:s10+s2] =	stream.linear.scatter [tilespmem:s9], [sflag:$0x2], $0x10000, $0x38;
	[tilespmem:$0x10080] =	vst v63  }
0x77: {  	_ =	swait.ge [sflag:s8], $0x10000  }
0x78: {  	[sflag:s8] =	ssyncset.done $0x0  }
0x79: {  	s7 =	sadd.s32 $0xFFFFFFFF, s7;
	[sflag:s8] =	ssyncadd.s32 $0xFFFF0000  }
0x7a: {  	_ =	sfence.sel $0x180000  }
0x7b: {  	[bflag:$0x0] =	sbarrier.arrive $0xFFFF  }
0x7c: {  	_ =	strace $0x9000004A  }
0x7d: {  	s0 =	stileid.u32;
	[bflag:$0x2] =	sbarrier.arrive $0xFFFF  }
0x7e: {  	p0 =	sne.s32 s0, $0x0;
	s0 =	rddreg [dreg:$0x1]  }
0x7f: {  	s0 =	sadd.s32 @!p0 $0x100000, s0  }
0x80: {  	[sflag:s0] =	ssyncadd.tile.s32 @!p0 $0x1;
	_ =	shalt  }
.Lfunc_end2:
_tile_overlayer_lowered:
.L_overlay_start_2:
0x81: {  	(tag) =	ssettag $0x2  }
0x82: {  	s0 =	rddreg [dreg:$0x0];
	s2 =	stileid.u32  }
0x83: {  	s1 =	rddreg [dreg:$0x1];
	p0 =	sne.s32 s2, $0x0  }
0x84: {  	s3 =	rddreg [dreg:$0x2];
	[bflag:$0x3] =	sbarrier.arrive $0xFFFF;
	s2 =	simm.s32 @!p0 $0x1C02  }
0x85: {  	[timem:s3], [sflag:s2] =	dma.local @!p0 [hbm:s0], s1  }
0x86: {  	s0 =	simm.s32 @!p0 $0x2  }
0x87: {  	_ =	swait.ge @!p0 [sflag:s0], s1  }
0x88: {  	s1 =	ssub.s32 @!p0 $0x0, s1;
	[sflag:s0] =	ssyncset.done @!p0 $0x0  }
0x89: {  	[sflag:s0] =	ssyncadd.s32 @!p0 s1  }
0x8a: {  	[bflag:$0x3] =	sbarrier.arrive $0xFFFF  }
0x8b: {  	_ =	shalt  }

// kernel: kernel.7.cloned.1.call-start
scs
__scs_entry_jumppad:
0x0: {  	(pc) =	sbr.rel $0x88, $3  }
0x1: {  	(tag) =	ssettag $0x0;
	lr =	simm.s32 $0x1  }
0x2: {  	[smem:$0x3F98] =	sst lr;
	_ =	strace $0xD0000000  }
0x3: {  	_ = 	snop  }
0x4: {  	_ = 	snop  }
0x5: {  	_ = 	snop  }
0x6: {  	_ = 	snop  }
0x7: {  	_ = 	snop  }
__scs_overlays_trampoline_lowered:
0x8: {  	[smem:$0x3FA7] =	sst s0  }
0x9: {  	[smem:$0x3FA8] =	sst s1  }
0xa: {  	[smem:$0x3FA9] =	sst s2  }
0xb: {  	[smem:$0x3FAA] =	sst s3  }
0xc: {  	[smem:$0x3FAB] =	sst s4  }
0xd: {  	[smem:$0x3FAC] =	sst s5  }
0xe: {  	[smem:$0x3FAD] =	sst s6  }
0xf: {  	[smem:$0x3FAE] =	sst s7  }
0x10: {  	[smem:$0x3FAF] =	sst s8  }
0x11: {  	[smem:$0x3FB0] =	sst s9;
	s0 =	simm.s32 @!p0 $0x0  }
0x12: {  	s1 =	sld [smem:$0x3F96];
	s0 =	simm.s32 @p0 $0x1  }
0x13: {  	[smem:$0x3FB1] =	sst s0;
	s0 =	simm.s32 @!p1 $0x0  }
0x14: {  	s2 =	sld [smem:$0x3F95];
	s0 =	simm.s32 @p1 $0x1  }
0x15: {  	[smem:$0x3FB2] =	sst s0;
	s0 =	simm.s32 @!p2 $0x0  }
0x16: {  	s3 =	sld [smem:$0x3FDB];
	s0 =	simm.s32 @p2 $0x1  }
0x17: {  	s4 =	simm.s32 $0x1BF5;
	[smem:$0x3FB4] =	sst s0  }
0x18: {  	s0 =	sld [smem:$0x3F97];
	_ =	swait.ge [sflag:s4], $0x0  }
0x19: {  	s7 =	sld [smem:$0x3F98]  }
0x1a: {  	s8 =	sadd.s32 $0xFFFFE003, lr  }
0x1b: {  	s9 =	sadd.s32 $0xFFFFFEF7, lr;
	s5 =	simm.s32 $0xFFFFFFFF;
	p2 =	slt.u32 s8, $0xFFFFF086  }
0x1c: {  	p1 =	slt.u32 s9, $0xF7A;
	s5 =	simm.s32 @!p2 $0x0  }
0x1d: {  	s5 =	simm.s32 @p1 $0x1;
	p0 =	seq.s32 s7, s2  }
0x1e: {  	s7 =	smul.u32 @!p0 $0xF7A, s2;
	p2 =	seq.s32 @!p0 s5, $0x0  }
0x1f: {  	s9 =	smul.u32 $0xF7A, s1;
	s8 =	simm.s32 @!p0 $0x1BF5;
	p2 =	por !p2, p0  }
0x20: {  	[sflag:s8] =	ssyncset.s32 @!p0 $0xFFFFF086;
	s6 =	sadd.s32 @!p0 s3, s7;
	s7 =	simm.s32 @!p0 $0x108  }
0x21: {  	s3 =	sadd.s32 s3, s9;
	s6 =	sadd.s32 @!p0 $0x88, s6;
	s7 =	simm.s32 @p2 $0x1082  }
0x22: {  	[simem:s7], [sflag:s8] =	dma.local @!p0 [hbm:s6], $0xF7A  }
0x23: {  	s9 =	sor.u32 $0xD0000000, s2;
	s6 =	simm.s32 $0x108;
	_ =	swait.ge @!p0 [sflag:s8], $0x0  }
0x24: {  	s3 =	sadd.s32 $0x88, s3;
	s6 =	simm.s32 @!p1 $0x1082;
	[sflag:s4] =	ssyncset.s32 $0xFFFFF086  }
0x25: {  	[simem:s6], [sflag:s4] =	dma.local [hbm:s3], $0xF7A  }
0x26: {  	[smem:$0x3F98] =	sst s1;
	(tag) =	ssettag s2;
	_ =	strace s9  }
0x27: {  	s1 =	sld [smem:$0x3FA8]  }
0x28: {  	s2 =	sld [smem:$0x3FA9]  }
0x29: {  	s4 =	sld [smem:$0x3FAB]  }
0x2a: {  	p0 =	seq.s32 s5, $0x0;
	s5 =	sld [smem:$0x3FAC]  }
0x2b: {  	s6 =	sld [smem:$0x3FAD]  }
0x2c: {  	s7 =	sld [smem:$0x3FAE]  }
0x2d: {  	s3 =	simm.s32 $0x108;
	s8 =	sld [smem:$0x3FAF]  }
0x2e: {  	s3 =	simm.s32 @!p0 $0x1082;
	s9 =	sld [smem:$0x3FB0]  }
0x2f: {  	lr =	sadd.s32 s0, s3;
	s0 =	sld [smem:$0x3FA7]  }
0x30: {  	s3 =	sld [smem:$0x3FAA]  }
0x31: {  	[smem:$0x3FB3] =	sst s10  }
0x32: {  	s10 =	sld [smem:$0x3FB1];
	_ =	sdelay $0x3  }
0x33: {  	p0 =	seq.s32 s10, $0x1;
	s10 =	sld [smem:$0x3FB3];
	_ =	sdelay $0x3  }
0x34: {  	[smem:$0x3FB3] =	sst s10  }
0x35: {  	s10 =	sld [smem:$0x3FB2];
	_ =	sdelay $0x3  }
0x36: {  	p1 =	seq.s32 s10, $0x1;
	s10 =	sld [smem:$0x3FB3];
	_ =	sdelay $0x3  }
0x37: {  	[smem:$0x3FB3] =	sst s10  }
0x38: {  	s10 =	sld [smem:$0x3FB4]  }
0x39: {  	_ = 	snop;
	(pc) =	sbr.ind lr, $3  }
0x3a: {  	_ = 	snop  }
0x3b: {  	_ = 	snop  }
0x3c: {  	p2 =	seq.s32 s10, $0x1;
	s10 =	sld [smem:$0x3FB3]  }
0x3d: {  	_ =	shalt  }
0x3e: {  	_ =	shalt  }
0x3f: {  	_ =	shalt  }
0x40: {  	_ =	shalt  }
0x41: {  	_ =	shalt  }
0x42: {  	_ =	shalt  }
0x43: {  	_ =	shalt  }
0x44: {  	_ =	shalt  }
0x45: {  	_ =	shalt  }
0x46: {  	_ =	shalt  }
0x47: {  	_ =	shalt  }
0x48: {  	_ =	shalt  }
0x49: {  	_ =	shalt  }
0x4a: {  	_ =	shalt  }
0x4b: {  	_ =	shalt  }
0x4c: {  	_ =	shalt  }
0x4d: {  	_ =	shalt  }
0x4e: {  	_ =	shalt  }
0x4f: {  	_ =	shalt  }
0x50: {  	_ =	shalt  }
0x51: {  	_ =	shalt  }
0x52: {  	_ =	shalt  }
0x53: {  	_ =	shalt  }
0x54: {  	_ =	shalt  }
0x55: {  	_ =	shalt  }
0x56: {  	_ =	shalt  }
0x57: {  	_ =	shalt  }
0x58: {  	_ =	shalt  }
0x59: {  	_ =	shalt  }
0x5a: {  	_ =	shalt  }
0x5b: {  	_ =	shalt  }
0x5c: {  	_ =	shalt  }
0x5d: {  	_ =	shalt  }
0x5e: {  	_ =	shalt  }
0x5f: {  	_ =	shalt  }
0x60: {  	_ =	shalt  }
0x61: {  	_ =	shalt  }
0x62: {  	_ =	shalt  }
0x63: {  	_ =	shalt  }
0x64: {  	_ =	shalt  }
0x65: {  	_ =	shalt  }
0x66: {  	_ =	shalt  }
0x67: {  	_ =	shalt  }
0x68: {  	_ =	shalt  }
0x69: {  	_ =	shalt  }
0x6a: {  	_ =	shalt  }
0x6b: {  	_ =	shalt  }
0x6c: {  	_ =	shalt  }
0x6d: {  	_ =	shalt  }
0x6e: {  	_ =	shalt  }
0x6f: {  	_ =	shalt  }
0x70: {  	_ =	shalt  }
0x71: {  	_ =	shalt  }
0x72: {  	_ =	shalt  }
0x73: {  	_ =	shalt  }
0x74: {  	_ =	shalt  }
0x75: {  	_ =	shalt  }
0x76: {  	_ =	shalt  }
0x77: {  	_ =	shalt  }
0x78: {  	_ =	shalt  }
0x79: {  	_ =	shalt  }
0x7a: {  	_ =	shalt  }
0x7b: {  	_ =	shalt  }
0x7c: {  	_ =	shalt  }
0x7d: {  	_ =	shalt  }
0x7e: {  	_ =	shalt  }
0x7f: {  	_ =	shalt  }
0x80: {  	_ =	shalt  }
0x81: {  	_ =	shalt  }
0x82: {  	_ =	shalt  }
0x83: {  	_ =	shalt  }
0x84: {  	_ =	shalt  }
0x85: {  	_ =	shalt  }
0x86: {  	_ =	shalt  }
0x87: {  	_ =	shalt  }
.Lfunc_end0:
.L_simem_size_0:
called_computation_lowered:
.L_overlay_start_0:
0x88: {  	s2 =	sld [smem:$0x3FD9]  }
0x89: {  	s3 =	sld [smem:$0x3FFE];
	_ =	sdelay $0x1  }
0x8a: {  	s1 =	srdreg.scid  }
0x8b: {  	s0 =	sand.u32 $0x1, s1  }
0x8c: {  	s17 =	sshll.u32 s0, $0xA;
	s2 =	sadd.s32 s3, s2  }
0x8d: {  	s2 =	sadd.s32 s2, s17  }
0x8e: {  	[smem:$0x3FBF] =	sst s2  }
0x8f: {  	_ = 	snop  }
0x90: {  	s2 =	sld [smem:$0x3FD0];
	(tm) =	ssettm $0x1  }
0x91: {  	s18 =	sld [smem:$0x3FFB];
	_ =	sdelay $0x3  }
0x92: {  	_ =	strace s18  }
0x93: {  	s3 =	sld [smem:$0x3FFC];
	_ =	sdelay $0x3  }
0x94: {  	_ =	strace s3  }
0x95: {  	s3 =	sld [smem:$0x3FFD];
	_ =	sdelay $0x3  }
0x96: {  	_ =	strace s3  }
0x97: {  	_ =	strace $0x8FFFFFFF  }
0x98: {  	s19 =	sld [smem:$0x3FDB];
	_ =	sdelay $0x1  }
0x99: {  	s4 =	simm.s32 $_scs_section_size  }
0x9a: {  	s5 =	simm.s32 $_size__tile_overlayer_lowered;
	s6 =	simm.s32 $_tile_overlayer_lowered  }
0x9b: {  	s22 =	simm.s32 $0x1BFF;
	s21 =	sshll.u32 s6, $0x1;
	s3 =	sadd.s32 s4, s19  }
0x9c: {  	s7 =	simm.s32 $0x0;
	s20 =	sshll.u32 s5, $0x1;
	s5 =	sadd.s32 s21, s3  }
0x9d: {  	[timem:s7], [sflag:s22] =	dma.local [hbm:s5], s20  }
0x9e: {  	_ =	swait.ge [sflag:s22], s20  }
0x9f: {  	s4 =	ssub.s32 $0x0, s20;
	[sflag:s22] =	ssyncset.done $0x0  }
0xa0: {  	[sflag:s22] =	ssyncadd.s32 s4;
	_ =	sdelay $0x1  }
0xa1: {  	s23 =	simm.s32 $0x1B8B  }
0xa2: {  	_ =	swait.ge [sflag:s23], $0x1  }
0xa3: {  	[sflag:s23] =	ssyncset.done $0x0  }
0xa4: {  	s25 =	simm.s32 $0x1B8E;
	s24 =	sld [smem:$0x3FFE];
	[sflag:s23] =	ssyncadd.s32 $0xFFFFFFFF  }
0xa5: {  	s26 =	simm.s32 $execute0_lowered;
	[smem:$0x3FD2] =	sst s25  }
0xa6: {  	s5 =	sshll.u32 s26, $0x1;
	_ =	strace $0x80000046;
	[dreg:$0x1] =	wrdreg $0xFFFFFFFF  }
0xa7: {  	s28 =	simm.s32 $_size_execute0_lowered;
	s3 =	sadd.s32 s3, s5;
	[dreg:$0x0] =	wrdreg $0x0  }
0xa8: {  	s5 =	sshll.u32 s28, $0x1;
	[dreg:$0x2] =	wrdreg s3  }
0xa9: {  	[dreg:$0x3] =	wrdreg s5  }
0xaa: {  	[dreg:$0x4] =	wrdreg $0xC0  }
0xab: {  	_ =	task [dreg:s7], $0x5FFFF  }
0xac: {  	[dreg:$0x1] =	wrdreg $0xFFFFFFFF  }
0xad: {  	[dreg:$0x0] =	wrdreg $0x60  }
0xae: {  	[dreg:$0x2] =	wrdreg s2  }
0xaf: {  	[dreg:$0x3] =	wrdreg s24  }
0xb0: {  	[dreg:$0x4] =	wrdreg $0x9  }
0xb1: {  	_ =	task.clear_ibuf [dreg:s7], $0x5FFFF;
	_ =	strace $0x90000046  }
0xb2: {  	s29 =	simm.s32 $0x9;
	_ =	strace $0x80000048  }
0xb3: {  	_ =	swait.ge [sflag:s29], $0x1  }
0xb4: {  	[sflag:s29] =	ssyncadd.s32 $0xFFFFFFFF  }
0xb5: {  	_ =	strace $0x90000048  }
0xb6: {  	_ =	sfence  }
0xb7: {  	s30 =	sld [smem:$0x0];
	_ =	sdelay $0x2  }
0xb8: {  	s31 =	sshll.u32 s1, $0xD;
	s1 =	sshrl.u32 s1, $0x2  }
0xb9: {  	s3 =	sand.u32 $0x4000, s31;
	s1 =	sadd.s32 s1, s30  }
0xba: {  	s0 =	sor.u32 s3, s0;
	s1 =	sshll.u32 s1, $0x11  }
0xbb: {  	s0 =	sor.u32 s1, s0  }
0xbc: {  	s0 =	sadd.s32 $0x8F2B, s0  }
0xbd: {  	[sflag:s0] =	ssyncadd.remote.s32 $0x1  }
0xbe: {  	_ =	sfence.sel $0xFFFF  }
0xbf: {  	[dreg:$0x0] =	wrdreg $0xFFFFFFFF;
	(pc) =	sbr.abs _section_cstart, $3  }
0xc0: {  	[dreg:$0x1] =	wrdreg $0xFFFFFFFF  }
0xc1: {  	_ =	task.clear_ibuf [dreg:s7], $0x2FFFF;
	_ =	strace $0x9FFFFFFF  }
0xc2: {  	(tm) =	ssettm $0x7FFFFFFF  }
0xc3: {  	_ =	shalt  }
tec
execute0_lowered:
.L_overlay_start_1:
0x0: {  	(tag) =	ssettag $0x1  }
0x1: {  	s1 =	srdreg.scid  }
0x2: {  	s0 =	stileid.u32;
	s3 =	rddreg [dreg:$0x0]  }
0x3: {  	s6 =	rddreg [dreg:$0x1];
	s18 =	simm.s32 $0x880;
	s19 =	simm.s32 $0x1080  }
0x4: {  	s20 =	simm.s32 $0x1880;
	s22 =	simm.s32 $0x2080;
	s23 =	simm.s32 $0x2880  }
0x5: {  	s7 =	simm.s32 $0x3080;
	s24 =	simm.s32 $0x3880;
	s8 =	simm.s32 $0x4080  }
0x6: {  	s25 =	simm.s32 $0x4880;
	s26 =	simm.s32 $0x5080;
	s1 =	sand.u32 $0x1, s1  }
0x7: {  	s9 =	simm.s32 $0x80;
	s2 =	sshll.u32 s0, $0x7;
	s4 =	sshll.u32 s1, $0x6  }
0x8: {  	s11 =	simm.s32 $0x6080;
	s4 =	sor.u32 s4, s2;
	s2 =	simm.s32 $0x0  }
0x9: {  	s12 =	simm.s32 $0x6880;
	s13 =	simm.s32 $0x7080;
	[smem:$0x7FF] =	sst s2  }
0xa: {  	s14 =	simm.s32 $0x7880;
	_ =	strace $0x80000047;
	[dreg:$0x5] =	wrdreg s18  }
0xb: {  	s15 =	simm.s32 $0x8080;
	s16 =	simm.s32 $0x8880;
	[dreg:$0x6] =	wrdreg s19  }
0xc: {  	s17 =	simm.s32 $0x9080;
	s28 =	simm.s32 $0xE080;
	[dreg:$0x7] =	wrdreg s20  }
0xd: {  	s29 =	simm.s32 $0xE880;
	s30 =	simm.s32 $0xF080;
	[dreg:$0x8] =	wrdreg s22  }
0xe: {  	s31 =	simm.s32 $0xF880;
	s1 =	ssub.s32 $0x2, s1;
	[dreg:$0x9] =	wrdreg s23  }
0xf: {  	s21 =	sshrl.u32 s1, $0x1;
	s5 =	sshrl.u32 s4, $0x3;
	[dreg:$0xa] =	wrdreg s7  }
0x10: {  	s4 =	sshll.u32 s4, $0x7;
	s1 =	ssub.s32 s1, s21;
	[dreg:$0xb] =	wrdreg s24  }
0x11: {  	s21 =	simm.s32 $0xB080;
	s5 =	sadd.s32 s5, s6;
	[dreg:$0xc] =	wrdreg s8  }
0x12: {  	s3 =	sadd.s32 s3, s4;
	s4 =	sadd.s32 $0x41700, s6;
	[dreg:$0xd] =	wrdreg s25  }
0x13: {  	s7 =	smax.u32 s1, $0x1;
	s8 =	simm.s32 $0x2;
	[dreg:$0xe] =	wrdreg s26  }
0x14: {  	s18 =	simm.s32 $0x9880;
	s19 =	simm.s32 $0xA080;
	s20 =	simm.s32 $0xA880  }
0x15: {  	s22 =	simm.s32 $0xB880;
	s23 =	simm.s32 $0xC080;
	s24 =	simm.s32 $0xC880  }
0x16: {  	v2 =	vlaneseq.u32;
	s25 =	simm.s32 $0xD080;
	s26 =	simm.s32 $0xD880;
	s1 =	simm.s32 $0x1  }
0x17: {  	vm0 =	vmmov $0xffff;
	v1 =	vshrl.u32 v2, $0x3;
	s5 =	sadd.s32 $0x1200, s5;
	[dreg:$0x4] =	wrdreg s3;
	s3 =	sadd.s32 $0x41600, s6  }
0x18: {  	v0 =	vand.u32 $0x7, v2;
	v2 =	vor.u32 $0x8, v2;
	v1 =	vmul.u32 $0x8, v1;
	[dreg:$0x3] =	wrdreg s5;
	s5 =	sadd.s32 $0x41800, s6;
	s6 =	sadd.s32 $0x41900, s6  }
.LBB2_1:
0x19: {  	s0 =	rddreg [dreg:$0x3]  }
0x1a: {  	[tilespmem:s2], [sflag:$0x2] =	stream.linear.gather [hbm4b:s0+s2], $0x40, $0x38;
	[tilespmem:$0x10080] =	vst v63  }
0x1b: {  	_ =	swait.ge [sflag:s8], $0x40  }
0x1c: {  	[sflag:s8] =	ssyncset.done $0x0  }
0x1d: {  	s10 =	rddreg [dreg:$0x4];
	[sflag:s8] =	ssyncadd.s32 $0xFFFFFFC0  }
0x1e: {  	[tilespmem:s9], [sflag:$0x2] =	stream.linear.gather [hbm4b:s10+s2], $0x10000, $0x38;
	[tilespmem:$0x10080] =	vst v63  }
0x1f: {  	_ =	swait.ge [sflag:s8], $0x10000  }
0x20: {  	[sflag:s8] =	ssyncset.done $0x0  }
0x21: {  	[sflag:s8] =	ssyncadd.s32 $0xFFFF0000  }
0x22: {  	v3 =	vld [tilespmem:$0x0];
	_ =	sdelay $0x4  }
0x23: {  	v4 =	vshll.u32 v3, $0x3  }
0x24: {  	v3 =	vand.u32 $0x7, v3;
	v4 =	vand.u32 $0xFFFFFFC0, v4  }
0x25: {  	v3 =	vor.u32 v3, v4  }
0x26: {  	v4 =	vperm.xlane v3, v0;
	_ =	sdelay $0x1  }
0x27: {  	v4 =	vadd.s32 v1, v4;
	_ =	sdelay $0x4  }
0x28: {  	[hbm4b:s3+s2] =	stream.indirect_vreg.scatter [tilespmem:s9], [sflag:$0x1], $0x80, v4, vm0, $0xb8;
	[tilespmem:$0x10080] =	vst v63  }
0x29: {  	s0 =	rddreg [dreg:$0x5];
	v3 =	vperm.xlane v3, v2  }
0x2a: {  	[hbm4b:s4+s2] =	stream.indirect_vreg.scatter [tilespmem:s0], [sflag:$0x1], $0x80, v4, vm0, $0xb8;
	[tilespmem:$0x10080] =	vst v63  }
0x2b: {  	s10 =	rddreg [dreg:$0x6];
	v3 =	vadd.s32 v1, v3  }
0x2c: {  	[hbm4b:s5+s2] =	stream.indirect_vreg.scatter [tilespmem:s10], [sflag:$0x1], $0x80, v4, vm0, $0xb8;
	[tilespmem:$0x10080] =	vst v63  }
0x2d: {  	s0 =	rddreg [dreg:$0x7]  }
0x2e: {  	[hbm4b:s6+s2] =	stream.indirect_vreg.scatter [tilespmem:s0], [sflag:$0x1], $0x80, v4, vm0, $0xb8;
	[tilespmem:$0x10080] =	vst v63  }
0x2f: {  	s10 =	rddreg [dreg:$0x8]  }
0x30: {  	[hbm4b:s3+s2] =	stream.indirect_vreg.scatter [tilespmem:s10], [sflag:$0x1], $0x80, v3, vm0, $0xb8;
	[tilespmem:$0x10080] =	vst v63  }
0x31: {  	s0 =	rddreg [dreg:$0x9]  }
0x32: {  	[hbm4b:s4+s2] =	stream.indirect_vreg.scatter [tilespmem:s0], [sflag:$0x1], $0x80, v3, vm0, $0xb8;
	[tilespmem:$0x10080] =	vst v63  }
0x33: {  	s10 =	rddreg [dreg:$0xa]  }
0x34: {  	[hbm4b:s5+s2] =	stream.indirect_vreg.scatter [tilespmem:s10], [sflag:$0x1], $0x80, v3, vm0, $0xb8;
	[tilespmem:$0x10080] =	vst v63  }
0x35: {  	s0 =	rddreg [dreg:$0xb]  }
0x36: {  	[hbm4b:s6+s2] =	stream.indirect_vreg.scatter [tilespmem:s0], [sflag:$0x1], $0x80, v3, vm0, $0xb8;
	[tilespmem:$0x10080] =	vst v63  }
0x37: {  	v3 =	vld [tilespmem:$0x10];
	_ =	sdelay $0x4  }
0x38: {  	v61 =	vshll.u32 v3, $0x3  }
0x39: {  	v3 =	vand.u32 $0x7, v3;
	v4 =	vand.u32 $0xFFFFFFC0, v61  }
0x3a: {  	v3 =	vor.u32 v3, v4  }
0x3b: {  	v4 =	vperm.xlane v3, v0;
	_ =	sdelay $0x1  }
0x3c: {  	v4 =	vadd.s32 v1, v4;
	_ =	sdelay $0x3  }
0x3d: {  	s0 =	rddreg [dreg:$0xc]  }
0x3e: {  	[hbm4b:s3+s2] =	stream.indirect_vreg.scatter [tilespmem:s0], [sflag:$0x1], $0x80, v4, vm0, $0xb8;
	[tilespmem:$0x10080] =	vst v63  }
0x3f: {  	s10 =	rddreg [dreg:$0xd];
	v3 =	vperm.xlane v3, v2  }
0x40: {  	[hbm4b:s4+s2] =	stream.indirect_vreg.scatter [tilespmem:s10], [sflag:$0x1], $0x80, v4, vm0, $0xb8;
	[tilespmem:$0x10080] =	vst v63  }
0x41: {  	v3 =	vadd.s32 v1, v3;
	s0 =	rddreg [dreg:$0xe]  }
0x42: {  	[hbm4b:s5+s2] =	stream.indirect_vreg.scatter [tilespmem:s0], [sflag:$0x1], $0x80, v4, vm0, $0xb8;
	[tilespmem:$0x10080] =	vst v63  }
0x43: {  	s10 =	simm.s32 $0x5880  }
0x44: {  	[hbm4b:s6+s2] =	stream.indirect_vreg.scatter [tilespmem:s10], [sflag:$0x1], $0x80, v4, vm0, $0xb8;
	[tilespmem:$0x10080] =	vst v63  }
0x45: {  	_ = 	snop  }
0x46: {  	[hbm4b:s3+s2] =	stream.indirect_vreg.scatter [tilespmem:s11], [sflag:$0x1], $0x80, v3, vm0, $0xb8;
	[tilespmem:$0x10080] =	vst v63  }
0x47: {  	_ = 	snop  }
0x48: {  	[hbm4b:s4+s2] =	stream.indirect_vreg.scatter [tilespmem:s12], [sflag:$0x1], $0x80, v3, vm0, $0xb8;
	[tilespmem:$0x10080] =	vst v63  }
0x49: {  	_ = 	snop  }
0x4a: {  	[hbm4b:s5+s2] =	stream.indirect_vreg.scatter [tilespmem:s13], [sflag:$0x1], $0x80, v3, vm0, $0xb8;
	[tilespmem:$0x10080] =	vst v63  }
0x4b: {  	_ = 	snop  }
0x4c: {  	[hbm4b:s6+s2] =	stream.indirect_vreg.scatter [tilespmem:s14], [sflag:$0x1], $0x80, v3, vm0, $0xb8;
	[tilespmem:$0x10080] =	vst v63  }
0x4d: {  	v3 =	vld [tilespmem:$0x20];
	_ =	sdelay $0x4  }
0x4e: {  	v62 =	vshll.u32 v3, $0x3  }
0x4f: {  	v3 =	vand.u32 $0x7, v3;
	v4 =	vand.u32 $0xFFFFFFC0, v62  }
0x50: {  	v3 =	vor.u32 v3, v4  }
0x51: {  	v4 =	vperm.xlane v3, v0;
	_ =	sdelay $0x1  }
0x52: {  	v4 =	vadd.s32 v1, v4;
	_ =	sdelay $0x4  }
0x53: {  	[hbm4b:s3+s2] =	stream.indirect_vreg.scatter [tilespmem:s15], [sflag:$0x1], $0x80, v4, vm0, $0xb8;
	[tilespmem:$0x10080] =	vst v63  }
0x54: {  	v3 =	vperm.xlane v3, v2  }
0x55: {  	[hbm4b:s4+s2] =	stream.indirect_vreg.scatter [tilespmem:s16], [sflag:$0x1], $0x80, v4, vm0, $0xb8;
	[tilespmem:$0x10080] =	vst v63  }
0x56: {  	v3 =	vadd.s32 v1, v3  }
0x57: {  	[hbm4b:s5+s2] =	stream.indirect_vreg.scatter [tilespmem:s17], [sflag:$0x1], $0x80, v4, vm0, $0xb8;
	[tilespmem:$0x10080] =	vst v63  }
0x58: {  	_ = 	snop  }
0x59: {  	[hbm4b:s6+s2] =	stream.indirect_vreg.scatter [tilespmem:s18], [sflag:$0x1], $0x80, v4, vm0, $0xb8;
	[tilespmem:$0x10080] =	vst v63  }
0x5a: {  	_ = 	snop  }
0x5b: {  	[hbm4b:s3+s2] =	stream.indirect_vreg.scatter [tilespmem:s19], [sflag:$0x1], $0x80, v3, vm0, $0xb8;
	[tilespmem:$0x10080] =	vst v63  }
0x5c: {  	_ = 	snop  }
0x5d: {  	[hbm4b:s4+s2] =	stream.indirect_vreg.scatter [tilespmem:s20], [sflag:$0x1], $0x80, v3, vm0, $0xb8;
	[tilespmem:$0x10080] =	vst v63  }
0x5e: {  	_ = 	snop  }
0x5f: {  	[hbm4b:s5+s2] =	stream.indirect_vreg.scatter [tilespmem:s21], [sflag:$0x1], $0x80, v3, vm0, $0xb8;
	[tilespmem:$0x10080] =	vst v63  }
0x60: {  	_ = 	snop  }
0x61: {  	[hbm4b:s6+s2] =	stream.indirect_vreg.scatter [tilespmem:s22], [sflag:$0x1], $0x80, v3, vm0, $0xb8;
	[tilespmem:$0x10080] =	vst v63  }
0x62: {  	v3 =	vld [tilespmem:$0x30];
	_ =	sdelay $0x4  }
0x63: {  	v63 =	vshll.u32 v3, $0x3  }
0x64: {  	v3 =	vand.u32 $0x7, v3;
	v4 =	vand.u32 $0xFFFFFFC0, v63  }
0x65: {  	v3 =	vor.u32 v3, v4  }
0x66: {  	v4 =	vperm.xlane v3, v0;
	_ =	sdelay $0x1  }
0x67: {  	v4 =	vadd.s32 v1, v4;
	_ =	sdelay $0x4  }
0x68: {  	[hbm4b:s3+s2] =	stream.indirect_vreg.scatter [tilespmem:s23], [sflag:$0x1], $0x80, v4, vm0, $0xb8;
	[tilespmem:$0x10080] =	vst v63  }
0x69: {  	v3 =	vperm.xlane v3, v2  }
0x6a: {  	[hbm4b:s4+s2] =	stream.indirect_vreg.scatter [tilespmem:s24], [sflag:$0x1], $0x80, v4, vm0, $0xb8;
	[tilespmem:$0x10080] =	vst v63  }
0x6b: {  	v3 =	vadd.s32 v1, v3  }
0x6c: {  	[hbm4b:s5+s2] =	stream.indirect_vreg.scatter [tilespmem:s25], [sflag:$0x1], $0x80, v4, vm0, $0xb8;
	[tilespmem:$0x10080] =	vst v63  }
0x6d: {  	_ = 	snop  }
0x6e: {  	[hbm4b:s6+s2] =	stream.indirect_vreg.scatter [tilespmem:s26], [sflag:$0x1], $0x80, v4, vm0, $0xb8;
	[tilespmem:$0x10080] =	vst v63  }
0x6f: {  	_ = 	snop  }
0x70: {  	[hbm4b:s3+s2] =	stream.indirect_vreg.scatter [tilespmem:s28], [sflag:$0x1], $0x80, v3, vm0, $0xb8;
	[tilespmem:$0x10080] =	vst v63  }
0x71: {  	_ = 	snop  }
0x72: {  	[hbm4b:s4+s2] =	stream.indirect_vreg.scatter [tilespmem:s29], [sflag:$0x1], $0x80, v3, vm0, $0xb8;
	[tilespmem:$0x10080] =	vst v63  }
0x73: {  	p0 =	sne.s32 s7, $0x1  }
0x74: {  	[hbm4b:s5+s2] =	stream.indirect_vreg.scatter [tilespmem:s30], [sflag:$0x1], $0x80, v3, vm0, $0xb8;
	[tilespmem:$0x10080] =	vst v63  }
.Ltmp0:
0x75: {  	_ = 	snop;
	(pc) =	sbr.rel @p0 .LBB2_1-.Ltmp0, $4  }
0x76: {  	[hbm4b:s6+s2] =	stream.indirect_vreg.scatter [tilespmem:s31], [sflag:$0x1], $0x80, v3, vm0, $0xb8;
	[tilespmem:$0x10080] =	vst v63  }
0x77: {  	_ =	swait.ge [sflag:s1], $0x10000  }
0x78: {  	[sflag:s1] =	ssyncset.done $0x0  }
0x79: {  	s7 =	sadd.s32 $0xFFFFFFFF, s7;
	[sflag:s1] =	ssyncadd.s32 $0xFFFF0000  }
0x7a: {  	_ =	sfence.sel $0x180000  }
0x7b: {  	[bflag:$0x0] =	sbarrier.arrive $0xFFFF  }
0x7c: {  	_ =	strace $0x90000047  }
0x7d: {  	s0 =	stileid.u32;
	[bflag:$0x2] =	sbarrier.arrive $0xFFFF  }
0x7e: {  	p0 =	sne.s32 s0, $0x0;
	s0 =	rddreg [dreg:$0x2]  }
0x7f: {  	s0 =	sadd.s32 @!p0 $0x100000, s0  }
0x80: {  	[sflag:s0] =	ssyncadd.tile.s32 @!p0 $0x1;
	_ =	shalt  }
.Lfunc_end2:
_tile_overlayer_lowered:
.L_overlay_start_2:
0x81: {  	(tag) =	ssettag $0x2  }
0x82: {  	s0 =	rddreg [dreg:$0x0];
	s2 =	stileid.u32  }
0x83: {  	s1 =	rddreg [dreg:$0x1];
	p0 =	sne.s32 s2, $0x0  }
0x84: {  	s3 =	rddreg [dreg:$0x2];
	[bflag:$0x3] =	sbarrier.arrive $0xFFFF;
	s2 =	simm.s32 @!p0 $0x1C02  }
0x85: {  	[timem:s3], [sflag:s2] =	dma.local @!p0 [hbm:s0], s1  }
0x86: {  	s0 =	simm.s32 @!p0 $0x2  }
0x87: {  	_ =	swait.ge @!p0 [sflag:s0], s1  }
0x88: {  	s1 =	ssub.s32 @!p0 $0x0, s1;
	[sflag:s0] =	ssyncset.done @!p0 $0x0  }
0x89: {  	[sflag:s0] =	ssyncadd.s32 @!p0 s1  }
0x8a: {  	[bflag:$0x3] =	sbarrier.arrive $0xFFFF  }
0x8b: {  	_ =	shalt  }

</sc_bundles>
